<compile_context>
chip_gen: v7x
topology: tpu7x:2x2x1
jax: 0.10.2.dev20260603
libtpu: 0.0.44.dev20260713+nightly
codegen_flags: <defaults>
</compile_context>

<pallas_src>
import functools

import numpy as np
import jax
import jax.numpy as jnp
from jax.experimental import pallas as pl
from jax.experimental.pallas import tpu as pltpu

_FEAT_STRIDES = (4, 8, 16)
_ANCHOR_SIZES = (8, 16, 32)
_ASPECT_RATIOS = (0.5, 1.0, 2.0)
_NMS_THRESH = 0.7
_N_PRE = 6000
_N_POST = 300
_MIN_SIZE = 16.0

_C = 192
_M = 192
_NA = 9
_N_ANCH = 193536
_N_PAD = 196608
_ROWS = 1536
_NMS_N = 6144
_NMS_B = 48

_HIGH = jax.lax.Precision.DEFAULT


def _anchor_base():
    anchors = []
    for s in _ANCHOR_SIZES:
        for ar in _ASPECT_RATIOS:
            h = s * np.sqrt(ar)
            w = s * np.sqrt(1.0 / ar)
            anchors.append([-h / 2.0, -w / 2.0, h / 2.0, w / 2.0])
    return np.asarray(anchors, dtype=np.float32)


def _shifted_anchors(stride, H, W):
    base = _anchor_base()
    shift_y = np.arange(H, dtype=np.float32) * stride
    shift_x = np.arange(W, dtype=np.float32) * stride
    sx, sy = np.meshgrid(shift_x, shift_y)
    shift = np.stack([sy.ravel(), sx.ravel(), sy.ravel(), sx.ravel()], axis=1)
    return (shift[:, None, :] + base[None, :, :]).reshape(-1, 4).astype(np.float32)


def _all_anchors():
    return np.concatenate([
        _shifted_anchors(4, 128, 128),
        _shifted_anchors(8, 64, 64),
        _shifted_anchors(16, 32, 32),
    ], axis=0)



def _head_body(bh, W, x_ref, w_ref, b_ref, lw_ref, lb_ref, sw_ref, sb_ref,
               sw0_ref, sb0_ref, sw1_ref, sb1_ref,
               locs_ref, scores_ref, fg_ref):
    i = pl.program_id(0)
    r0 = i * bh
    h = None
    for t, (dy, dx) in enumerate((dy, dx) for dy in range(3) for dx in range(3)):
        xv = x_ref[pl.ds(r0 + dy, bh), dx:dx + W, :].reshape(bh * W, _C)
        p = jax.lax.dot_general(xv, w_ref[t * _C:(t + 1) * _C, :],
                                (((1,), (0,)), ((), ())),
                                preferred_element_type=jnp.float32)
        h = p if h is None else h + p
    h = h + b_ref[...]
    h = jnp.maximum(h, 0.0)
    locs_ref[...] = jnp.dot(h, lw_ref[...], preferred_element_type=jnp.float32,
                            precision=_HIGH) + lb_ref[...]
    scores_ref[...] = jnp.dot(h, sw_ref[...], preferred_element_type=jnp.float32,
                              precision=_HIGH) + sb_ref[...]
    s0 = jnp.dot(h, sw0_ref[...], preferred_element_type=jnp.float32,
                 precision=_HIGH) + sb0_ref[...]
    s1 = jnp.dot(h, sw1_ref[...], preferred_element_type=jnp.float32,
                 precision=_HIGH) + sb1_ref[...]
    m = jnp.maximum(s0, s1)
    e0 = jnp.exp(s0 - m)
    e1 = jnp.exp(s1 - m)
    fg_ref[...] = e1 / (e0 + e1)


def _run_head(xpad, wcat, b_r, lwT, lb_r, swT, sb_r, sw0, sb0, sw1, sb1, H, W):
    bh = max(1, 1024 // W)
    grid = H // bh
    n = H * W
    kc = 9 * _C
    full = lambda shape: pl.BlockSpec(shape, lambda i: (0,) * len(shape))
    return pl.pallas_call(
        functools.partial(_head_body, bh, W),
        grid=(grid,),
        in_specs=[
            pl.BlockSpec((H + 2, W + 2, _C), lambda i: (0, 0, 0)),
            full((kc, _M)), full((1, _M)),
            full((_M, 4 * _NA)), full((1, 4 * _NA)),
            full((_M, 2 * _NA)), full((1, 2 * _NA)),
            full((_M, _NA)), full((1, _NA)),
            full((_M, _NA)), full((1, _NA)),
        ],
        out_specs=[
            pl.BlockSpec((bh * W, 4 * _NA), lambda i: (i, 0)),
            pl.BlockSpec((bh * W, 2 * _NA), lambda i: (i, 0)),
            pl.BlockSpec((bh * W, _NA), lambda i: (i, 0)),
        ],
        out_shape=[
            jax.ShapeDtypeStruct((n, 4 * _NA), jnp.float32),
            jax.ShapeDtypeStruct((n, 2 * _NA), jnp.float32),
            jax.ShapeDtypeStruct((n, _NA), jnp.float32),
        ],
    )(xpad, wcat, b_r, lwT, lb_r, swT, sb_r, sw0, sb0, sw1, sb1)



def _decode_body(loc_ref, anc_ref, fg_ref, scal_ref, roi_ref, msc_ref):
    ms = scal_ref[0, 0]
    im_h = scal_ref[0, 1]
    im_w = scal_ref[0, 2]
    a0, a1, a2, a3 = anc_ref[0], anc_ref[1], anc_ref[2], anc_ref[3]
    dy, dx, dh, dw = loc_ref[0], loc_ref[1], loc_ref[2], loc_ref[3]
    src_h = a2 - a0
    src_w = a3 - a1
    ctr_y = a0 + 0.5 * src_h
    ctr_x = a1 + 0.5 * src_w
    cy = dy * src_h + ctr_y
    cx = dx * src_w + ctr_x
    hh = jnp.exp(dh) * src_h
    ww = jnp.exp(dw) * src_w
    r0 = jnp.clip(cy - 0.5 * hh, 0.0, im_h)
    r1 = jnp.clip(cx - 0.5 * ww, 0.0, im_w)
    r2 = jnp.clip(cy + 0.5 * hh, 0.0, im_h)
    r3 = jnp.clip(cx + 0.5 * ww, 0.0, im_w)
    roi_ref[0] = r0
    roi_ref[1] = r1
    roi_ref[2] = r2
    roi_ref[3] = r3
    hs = r2 - r0
    ws = r3 - r1
    gidx = (jax.lax.broadcasted_iota(jnp.int32, (_ROWS, 128), 0) * 128
            + jax.lax.broadcasted_iota(jnp.int32, (_ROWS, 128), 1))
    valid = (hs >= ms) & (ws >= ms) & (gidx < _N_ANCH)
    msc_ref[...] = jnp.where(valid, fg_ref[...], -jnp.inf)


def _run_decode(loc_pl, anc_pl, fg_pl, scal):
    full = lambda shape, space=None: pl.BlockSpec(
        shape, lambda: (0,) * len(shape),
        memory_space=space)
    return pl.pallas_call(
        _decode_body,
        in_specs=[
            pl.BlockSpec((4, _ROWS, 128), lambda: (0, 0, 0)),
            pl.BlockSpec((4, _ROWS, 128), lambda: (0, 0, 0)),
            pl.BlockSpec((_ROWS, 128), lambda: (0, 0)),
            pl.BlockSpec(memory_space=pltpu.SMEM),
        ],
        out_specs=[
            pl.BlockSpec((4, _ROWS, 128), lambda: (0, 0, 0)),
            pl.BlockSpec((_ROWS, 128), lambda: (0, 0)),
        ],
        out_shape=[
            jax.ShapeDtypeStruct((4, _ROWS, 128), jnp.float32),
            jax.ShapeDtypeStruct((_ROWS, 128), jnp.float32),
        ],
    )(loc_pl, anc_pl, fg_pl, scal)



def _nms_body(rowc_ref, colc_ref, keep_ref):
    N = _NMS_N
    keep_ref[...] = jnp.ones((N, 1), jnp.float32)
    ay0 = colc_ref[:, 0:1]
    ax0 = colc_ref[:, 1:2]
    ay1 = colc_ref[:, 2:3]
    ax1 = colc_ref[:, 3:4]
    area_all = (ay1 - ay0) * (ax1 - ax0)
    row_g = jax.lax.broadcasted_iota(jnp.int32, (N, 1), 0)
    ident = (jax.lax.broadcasted_iota(jnp.int32, (128, 128), 0)
             == jax.lax.broadcasted_iota(jnp.int32, (128, 128), 1)
             ).astype(jnp.float32)
    tri = (jax.lax.broadcasted_iota(jnp.int32, (128, 128), 0)
           > jax.lax.broadcasted_iota(jnp.int32, (128, 128), 1)
           ).astype(jnp.float32)
    col_l = jax.lax.broadcasted_iota(jnp.int32, (128, 1), 0)

    def to_row(col):
        return jax.lax.dot_general(col, ident, (((0,), (0,)), ((), ())),
                                   preferred_element_type=jnp.float32,
                                   precision=_HIGH)

    def block_step(state):
        b, cnt = state
        s = b * 128
        by0 = rowc_ref[0:1, pl.ds(s, 128)]
        bx0 = rowc_ref[1:2, pl.ds(s, 128)]
        by1 = rowc_ref[2:3, pl.ds(s, 128)]
        bx1 = rowc_ref[3:4, pl.ds(s, 128)]
        area_b = (by1 - by0) * (bx1 - bx0)
        tl_y = jnp.maximum(ay0, by0)
        tl_x = jnp.maximum(ax0, bx0)
        br_y = jnp.minimum(ay1, by1)
        br_x = jnp.minimum(ax1, bx1)
        why = jnp.maximum(br_y - tl_y, 0.0)
        whx = jnp.maximum(br_x - tl_x, 0.0)
        inter = why * whx
        union = area_all + area_b - inter
        iou = jnp.where(union > 0,
                        inter / jnp.where(union > 0, union, 1.0), 0.0)
        S = (iou > _NMS_THRESH).astype(jnp.float32)
        cy0 = colc_ref[pl.ds(s, 128), 0:1]
        cx0 = colc_ref[pl.ds(s, 128), 1:2]
        cy1 = colc_ref[pl.ds(s, 128), 2:3]
        cx1 = colc_ref[pl.ds(s, 128), 3:4]
        area_c = (cy1 - cy0) * (cx1 - cx0)
        why_b = jnp.maximum(jnp.minimum(cy1, by1) - jnp.maximum(cy0, by0), 0.0)
        whx_b = jnp.maximum(jnp.minimum(cx1, bx1) - jnp.maximum(cx0, bx0), 0.0)
        inter_b = why_b * whx_b
        union_b = area_c + area_b - inter_b
        iou_b = jnp.where(union_b > 0,
                          inter_b / jnp.where(union_b > 0, union_b, 1.0), 0.0)
        Sbb = (iou_b > _NMS_THRESH).astype(jnp.float32) * tri
        kb0 = keep_ref[pl.ds(s, 128), :]

        def fix_cond(st):
            _, it, changed = st
            return changed & (it < 130)

        def fix_body(st):
            kb, it, _ = st
            kbr = to_row(kb)
            sup = jnp.max(Sbb * kbr, axis=1, keepdims=True)
            knew = kb0 * (1.0 - sup)
            changed = jnp.sum(jnp.abs(knew - kb)) > 0.0
            return knew, it + 1, changed

        kbf, _, _ = jax.lax.while_loop(fix_cond, fix_body,
                                       (kb0, 0, True))
        kbr_f = to_row(kbf)
        bi = s + jax.lax.broadcasted_iota(jnp.int32, (1, 128), 1)
        later = (row_g > bi).astype(jnp.float32)
        sup_all = jnp.max(S * later * kbr_f, axis=1, keepdims=True)
        keep_ref[...] = keep_ref[...] * (1.0 - sup_all)
        bi_col = s + col_l
        cnt = cnt + jnp.sum(kbf * (bi_col < _N_PRE).astype(jnp.float32))
        return b + 1, cnt

    def outer_cond(state):
        b, cnt = state
        return (b < _NMS_B) & (cnt < float(_N_POST))

    jax.lax.while_loop(outer_cond, block_step, (0, 0.0))


def _run_nms(rowc, colc):
    return pl.pallas_call(
        _nms_body,
        in_specs=[
            pl.BlockSpec((4, _NMS_N), lambda: (0, 0)),
            pl.BlockSpec((_NMS_N, 4), lambda: (0, 0)),
        ],
        out_specs=pl.BlockSpec((_NMS_N, 1), lambda: (0, 0)),
        out_shape=jax.ShapeDtypeStruct((_NMS_N, 1), jnp.float32),
    )(rowc, colc)



def kernel(ft0, ft1, ft2, conv1_w, conv1_b, score_w, score_b, loc_w, loc_b,
           img_size, preprocess_scale):
    wcat = conv1_w.transpose(2, 3, 1, 0).reshape(9 * _C, _M)
    b_r = conv1_b.reshape(1, _M)
    lwT = loc_w.T
    lb_r = loc_b.reshape(1, 4 * _NA)
    swT = score_w.T
    sb_r = score_b.reshape(1, 2 * _NA)
    sw0 = score_w[0::2].T
    sb0 = score_b[0::2].reshape(1, _NA)
    sw1 = score_w[1::2].T
    sb1 = score_b[1::2].reshape(1, _NA)

    locs_l, scores_l, fg_l = [], [], []
    for ft in (ft0, ft1, ft2):
        _, _, H, W = ft.shape
        x = ft[0].transpose(1, 2, 0)
        xp = jnp.pad(x, ((1, 1), (1, 1), (0, 0)))
        locs, scores, fg = _run_head(xp, wcat, b_r, lwT, lb_r, swT, sb_r,
                                     sw0, sb0, sw1, sb1, H, W)
        locs_l.append(locs.reshape(-1, 4))
        scores_l.append(scores.reshape(-1, 2))
        fg_l.append(fg.reshape(-1))

    locs_n = jnp.concatenate(locs_l, axis=0)
    rpn_locs = locs_n[None]
    rpn_scores = jnp.concatenate(scores_l, axis=0)[None]
    fg_all = jnp.concatenate(fg_l, axis=0)

    anchors_np = _all_anchors()
    anchors = jnp.asarray(anchors_np)

    pad_n = _N_PAD - _N_ANCH
    loc_pl = jnp.pad(locs_n, ((0, pad_n), (0, 0))).T.reshape(4, _ROWS, 128)
    anc_pl = jnp.asarray(
        np.pad(anchors_np, ((0, pad_n), (0, 0))).T.reshape(4, _ROWS, 128))
    fg_pad = jnp.pad(fg_all, (0, pad_n))
    fg_pl = fg_pad.reshape(_ROWS, 128)

    ms = jnp.float32(_MIN_SIZE) * preprocess_scale
    scal = jnp.stack([ms, img_size[0], img_size[1],
                      jnp.float32(0.0)]).astype(jnp.float32).reshape(1, 4)

    roi_pl, msc = _run_decode(loc_pl, anc_pl, fg_pl, scal)

    msc_flat = msc.reshape(-1)
    _, top_i = jax.lax.top_k(msc_flat, _N_PRE)
    rois_n = roi_pl.reshape(4, -1).T
    roi_s = rois_n[top_i]
    fg_s = fg_pad[top_i]

    roi_sp = jnp.pad(roi_s, ((0, _NMS_N - _N_PRE), (0, 0)))
    keep = _run_nms(roi_sp.T, roi_sp)

    kf = keep[:, 0]
    idx = jnp.arange(_NMS_N, dtype=jnp.int32)
    eff = jnp.where((kf > 0.5) & (idx < _N_PRE), idx, _N_PRE)
    srt = jnp.sort(eff)[:_N_POST]
    cl = jnp.minimum(srt, _N_PRE - 1)
    rois = roi_s[cl]
    roi_fg_scores = fg_s[cl]
    roi_indices = jnp.zeros((_N_POST,), dtype=jnp.int32)
    return (rpn_locs, rpn_scores, rois, roi_fg_scores, roi_indices, anchors)

# --- scband reference (transcript-rebuilt; emitter-appended) ---
"""Pipeline reference for scband-region-proposal-network-4698694222526 (READ-ONLY COPY).

The authoritative reference and input builder live on the scoring server;
editing this copy changes nothing except your own understanding.
"""

import jax, jax.numpy as jnp
import numpy as np

FEAT_STRIDES = [4, 8, 16]
ANCHOR_SIZES = [8, 16, 32]
ASPECT_RATIOS = [0.5, 1.0, 2.0]
NMS_THRESH = 0.7
N_PRE_NMS = 6000
N_POST_NMS = 300
MIN_SIZE = 16.0


def generate_anchor_base(sizes, aspect_ratios):
    anchors = []
    for s in sizes:
        for ar in aspect_ratios:
            h = s * np.sqrt(ar)
            w = s * np.sqrt(1.0 / ar)
            anchors.append([-h / 2.0, -w / 2.0, h / 2.0, w / 2.0])
    return np.asarray(anchors, dtype=np.float32)


def enumerate_shifted_anchor(anchor_base, stride, H, W):
    shift_y = np.arange(H, dtype=np.float32) * stride
    shift_x = np.arange(W, dtype=np.float32) * stride
    sx, sy = np.meshgrid(shift_x, shift_y)
    shift = np.stack([sy.ravel(), sx.ravel(), sy.ravel(), sx.ravel()], axis=1)
    anchors = (shift[:, None, :] + anchor_base[None, :, :]).reshape(-1, 4).astype(np.float32)
    return anchors


def loc2bbox(anchor, loc):
    src_h = anchor[:, 2] - anchor[:, 0]
    src_w = anchor[:, 3] - anchor[:, 1]
    ctr_y = anchor[:, 0] + 0.5 * src_h
    ctr_x = anchor[:, 1] + 0.5 * src_w
    dy, dx, dh, dw = loc[:, 0], loc[:, 1], loc[:, 2], loc[:, 3]
    cy = dy * src_h + ctr_y
    cx = dx * src_w + ctr_x
    h = jnp.exp(dh) * src_h
    w = jnp.exp(dw) * src_w
    return jnp.stack([cy - 0.5 * h, cx - 0.5 * w, cy + 0.5 * h, cx + 0.5 * w], axis=1)


def conv1x1(x, w, b):
    return jnp.einsum('nchw,oc->nohw', x, w) + b[None, :, None, None]


def rpn_head(ft, conv1_w, conv1_b, score_w, score_b, loc_w, loc_b):
    n, _, H, W = ft.shape
    h = jax.lax.conv_general_dilated(ft, conv1_w, (1, 1), 'SAME', dimension_numbers=('NCHW', 'OIHW', 'NCHW'))
    h = jax.nn.relu(h + conv1_b[None, :, None, None])
    n_anchor = loc_w.shape[0] // 4
    locs = conv1x1(h, loc_w, loc_b).transpose(0, 2, 3, 1).reshape(n, -1, 4)
    scores_raw = conv1x1(h, score_w, score_b).transpose(0, 2, 3, 1)
    sm = jax.nn.softmax(scores_raw.reshape(n, H, W, n_anchor, 2), axis=4)
    fg = sm[..., 1].reshape(n, -1)
    scores = scores_raw.reshape(n, -1, 2)
    return locs, scores, fg


def nms_jax(boxes, scores, thresh):
    N = int(boxes.shape[0])
    if N == 0:
        return jnp.zeros((0,), dtype=jnp.int32)
    areas = (boxes[:, 2] - boxes[:, 0]) * (boxes[:, 3] - boxes[:, 1])
    tl = jnp.maximum(boxes[:, None, :2], boxes[None, :, :2])
    br = jnp.minimum(boxes[:, None, 2:], boxes[None, :, 2:])
    wh = jnp.clip(br - tl, 0.0)
    inter = wh[..., 0] * wh[..., 1]
    union = areas[:, None] + areas[None, :] - inter
    iou = jnp.where(union > 0, inter / jnp.where(union > 0, union, 1.0), 0.0)
    idx = jnp.arange(N)

    def body(i, keep):
        sup = (iou[i] > thresh) & (idx > i) & keep[i]
        return keep & (~sup)

    keep = jax.lax.fori_loop(0, N, body, jnp.ones((N,), dtype=bool))
    return jnp.sort(jnp.where(keep, idx, N)).astype(jnp.int32)


def proposal_layer(loc, score, anchor, img_size, preprocess_scale):
    roi = loc2bbox(anchor, loc)
    roi = jnp.stack([
        jnp.clip(roi[:, 0], 0.0, img_size[0]),
        jnp.clip(roi[:, 1], 0.0, img_size[1]),
        jnp.clip(roi[:, 2], 0.0, img_size[0]),
        jnp.clip(roi[:, 3], 0.0, img_size[1]),
    ], axis=1)
    ms = MIN_SIZE * preprocess_scale
    hs = roi[:, 2] - roi[:, 0]
    ws = roi[:, 3] - roi[:, 1]
    valid = (hs >= ms) & (ws >= ms)
    masked_score = jnp.where(valid, score, -jnp.inf)
    order = jnp.argsort(-masked_score)[:N_PRE_NMS]
    roi = roi[order]
    score = score[order]
    keep = nms_jax(roi, score, NMS_THRESH)[:N_POST_NMS]
    return roi[keep], score[keep]


def setup_inputs(seed: int = 0) -> dict:
    key = jax.random.key(seed)
    ks = jax.random.split(key, 8)
    C, M, n_anchor = 192, 192, 9
    return {
        'ft0': jax.random.normal(ks[0], (1, C, 128, 128), jnp.float32),
        'ft1': jax.random.normal(ks[1], (1, C, 64, 64), jnp.float32),
        'ft2': jax.random.normal(ks[2], (1, C, 32, 32), jnp.float32),
        'conv1_w': jax.random.normal(ks[3], (M, C, 3, 3), jnp.float32) * 0.01,
        'conv1_b': jnp.zeros((M,), jnp.float32),
        'score_w': jax.random.normal(ks[4], (n_anchor * 2, M), jnp.float32) * 0.01,
        'score_b': jnp.zeros((n_anchor * 2,), jnp.float32),
        'loc_w': jax.random.normal(ks[5], (n_anchor * 4, M), jnp.float32) * 0.001,
        'loc_b': jnp.zeros((n_anchor * 4,), jnp.float32),
        'img_size': np.array([512.0, 512.0], dtype=np.float32),
        'preprocess_scale': 1.0,
    }


def reference(ft0, ft1, ft2, conv1_w, conv1_b, score_w, score_b, loc_w, loc_b, img_size, preprocess_scale):
    fts = [ft0, ft1, ft2]
    anchor_base = generate_anchor_base(ANCHOR_SIZES, ASPECT_RATIOS)
    locs_l, scores_l, fg_l, anch_l = [], [], [], []
    for ft, stride in zip(fts, FEAT_STRIDES):
        l, s, f = rpn_head(ft, conv1_w, conv1_b, score_w, score_b, loc_w, loc_b)
        _, _, H, W = ft.shape
        anch_l.append(enumerate_shifted_anchor(anchor_base, stride, H, W))
        locs_l.append(l)
        scores_l.append(s)
        fg_l.append(f)
    rpn_locs = jnp.concatenate(locs_l, axis=1)
    rpn_scores = jnp.concatenate(scores_l, axis=1)
    rpn_fg = jnp.concatenate(fg_l, axis=1)
    anchors = jnp.asarray(np.concatenate(anch_l, axis=0))
    rois, roi_fg_scores = proposal_layer(rpn_locs[0], rpn_fg[0], anchors, img_size, preprocess_scale)
    roi_indices = jnp.zeros((rois.shape[0],), dtype=jnp.int32)
    return (rpn_locs, rpn_scores, rois, roi_fg_scores, roi_indices, anchors)

if __name__ == "__main__":
    import jax
    _d = setup_inputs()
    print(jax.jit(kernel)(*tuple(_d.values())))

</pallas_src>

<mosaic_0001>
module attributes {stable_mosaic.version = 14 : i64} {
  func.func @_head_body(%arg0: i32, %arg1: memref<34x34x192xf32, #tpu.memory_space<vmem>>, %arg2: memref<1728x192xf32, #tpu.memory_space<vmem>>, %arg3: memref<1x192xf32, #tpu.memory_space<vmem>>, %arg4: memref<192x36xf32, #tpu.memory_space<vmem>>, %arg5: memref<1x36xf32, #tpu.memory_space<vmem>>, %arg6: memref<192x18xf32, #tpu.memory_space<vmem>>, %arg7: memref<1x18xf32, #tpu.memory_space<vmem>>, %arg8: memref<192x9xf32, #tpu.memory_space<vmem>>, %arg9: memref<1x9xf32, #tpu.memory_space<vmem>>, %arg10: memref<192x9xf32, #tpu.memory_space<vmem>>, %arg11: memref<1x9xf32, #tpu.memory_space<vmem>>, %arg12: memref<1024x36xf32, #tpu.memory_space<vmem>>, %arg13: memref<1024x18xf32, #tpu.memory_space<vmem>>, %arg14: memref<1024x9xf32, #tpu.memory_space<vmem>>) attributes {dimension_semantics = [#tpu.dimension_semantics<arbitrary>], iteration_bounds = array<i64: 1>, scalar_prefetch = 0 : i64, scratch_operands = 0 : i64, tpu.core_type = #tpu.core_type<tc>, window_params = [{pipeline_mode = #tpu.pipeline_mode<synchronous>, transform_indices = @transform_0, window_bounds = array<i64: 34, 34, 192>}, {pipeline_mode = #tpu.pipeline_mode<synchronous>, transform_indices = @transform_1, window_bounds = array<i64: 1728, 192>}, {pipeline_mode = #tpu.pipeline_mode<synchronous>, transform_indices = @transform_2, window_bounds = array<i64: 1, 192>}, {pipeline_mode = #tpu.pipeline_mode<synchronous>, transform_indices = @transform_3, window_bounds = array<i64: 192, 36>}, {pipeline_mode = #tpu.pipeline_mode<synchronous>, transform_indices = @transform_4, window_bounds = array<i64: 1, 36>}, {pipeline_mode = #tpu.pipeline_mode<synchronous>, transform_indices = @transform_5, window_bounds = array<i64: 192, 18>}, {pipeline_mode = #tpu.pipeline_mode<synchronous>, transform_indices = @transform_6, window_bounds = array<i64: 1, 18>}, {pipeline_mode = #tpu.pipeline_mode<synchronous>, transform_indices = @transform_7, window_bounds = array<i64: 192, 9>}, {pipeline_mode = #tpu.pipeline_mode<synchronous>, transform_indices = @transform_8, window_bounds = array<i64: 1, 9>}, {pipeline_mode = #tpu.pipeline_mode<synchronous>, transform_indices = @transform_9, window_bounds = array<i64: 192, 9>}, {pipeline_mode = #tpu.pipeline_mode<synchronous>, transform_indices = @transform_10, window_bounds = array<i64: 1, 9>}, {transform_indices = @transform_11, window_bounds = array<i64: 1024, 36>}, {transform_indices = @transform_12, window_bounds = array<i64: 1024, 18>}, {transform_indices = @transform_13, window_bounds = array<i64: 1024, 9>}]} {
    %mul3A = arith.constant 32 : i32
    %mul3A_0 = arith.muli %arg0, %mul3A : i32
    %add3A = arith.constant 0 : i32
    %add3A_1 = arith.addi %mul3A_0, %add3A : i32
    %get3A = arith.index_cast %add3A_1 : i32 to index
    %get3A_2 = arith.constant 0 : index
    %get3A_3 = arith.constant 0 : index
    %get3A_4 = vector.load %arg1[%get3A, %get3A_2, %get3A_3] : memref<34x34x192xf32, #tpu.memory_space<vmem>>, vector<32x32x192xf32>
    %reshape3A = vector.shape_cast %get3A_4 : vector<32x32x192xf32> to vector<1024x192xf32>
    %get3A_5 = arith.constant 0 : index
    %get3A_6 = arith.constant 0 : index
    %get3A_7 = vector.load %arg2[%get3A_5, %get3A_6] : memref<1728x192xf32, #tpu.memory_space<vmem>>, vector<192x192xf32>
    %dot_general3A = arith.constant dense<0.000000e+00> : vector<1024x192xf32>
    %dot_general3A_8 = tpu.matmul %reshape3A, %get3A_7, %dot_general3A {dimension_numbers = #tpu.dot_dimension_numbers<[1], [0], [0], [1], [0, 0, 1, 1], [], []>, transpose_lhs_hint = false} : vector<1024x192xf32>, vector<192x192xf32>, vector<1024x192xf32> -> vector<1024x192xf32>
    %add3A_9 = arith.constant 0 : i32
    %add3A_10 = arith.addi %mul3A_0, %add3A_9 : i32
    %get3A_11 = arith.index_cast %add3A_10 : i32 to index
    %get3A_12 = arith.constant 1 : index
    %get3A_13 = arith.constant 0 : index
    %get3A_14 = vector.load %arg1[%get3A_11, %get3A_12, %get3A_13] : memref<34x34x192xf32, #tpu.memory_space<vmem>>, vector<32x32x192xf32>
    %reshape3A_15 = vector.shape_cast %get3A_14 : vector<32x32x192xf32> to vector<1024x192xf32>
    %get3A_16 = arith.constant 192 : index
    %get3A_17 = arith.constant 0 : index
    %get3A_18 = vector.load %arg2[%get3A_16, %get3A_17] : memref<1728x192xf32, #tpu.memory_space<vmem>>, vector<192x192xf32>
    %dot_general3A_19 = arith.constant dense<0.000000e+00> : vector<1024x192xf32>
    %dot_general3A_20 = tpu.matmul %reshape3A_15, %get3A_18, %dot_general3A_19 {dimension_numbers = #tpu.dot_dimension_numbers<[1], [0], [0], [1], [0, 0, 1, 1], [], []>, transpose_lhs_hint = false} : vector<1024x192xf32>, vector<192x192xf32>, vector<1024x192xf32> -> vector<1024x192xf32>
    %add3A_21 = arith.addf %dot_general3A_8, %dot_general3A_20 : vector<1024x192xf32>
    %add3A_22 = arith.constant 0 : i32
    %add3A_23 = arith.addi %mul3A_0, %add3A_22 : i32
    %get3A_24 = arith.index_cast %add3A_23 : i32 to index
    %get3A_25 = arith.constant 2 : index
    %get3A_26 = arith.constant 0 : index
    %get3A_27 = vector.load %arg1[%get3A_24, %get3A_25, %get3A_26] : memref<34x34x192xf32, #tpu.memory_space<vmem>>, vector<32x32x192xf32>
    %reshape3A_28 = vector.shape_cast %get3A_27 : vector<32x32x192xf32> to vector<1024x192xf32>
    %get3A_29 = arith.constant 384 : index
    %get3A_30 = arith.constant 0 : index
    %get3A_31 = vector.load %arg2[%get3A_29, %get3A_30] : memref<1728x192xf32, #tpu.memory_space<vmem>>, vector<192x192xf32>
    %dot_general3A_32 = arith.constant dense<0.000000e+00> : vector<1024x192xf32>
    %dot_general3A_33 = tpu.matmul %reshape3A_28, %get3A_31, %dot_general3A_32 {dimension_numbers = #tpu.dot_dimension_numbers<[1], [0], [0], [1], [0, 0, 1, 1], [], []>, transpose_lhs_hint = false} : vector<1024x192xf32>, vector<192x192xf32>, vector<1024x192xf32> -> vector<1024x192xf32>
    %add3A_34 = arith.addf %add3A_21, %dot_general3A_33 : vector<1024x192xf32>
    %add3A_35 = arith.constant 1 : i32
    %add3A_36 = arith.addi %mul3A_0, %add3A_35 : i32
    %get3A_37 = arith.index_cast %add3A_36 : i32 to index
    %get3A_38 = arith.constant 0 : index
    %get3A_39 = arith.constant 0 : index
    %get3A_40 = vector.load %arg1[%get3A_37, %get3A_38, %get3A_39] : memref<34x34x192xf32, #tpu.memory_space<vmem>>, vector<32x32x192xf32>
    %reshape3A_41 = vector.shape_cast %get3A_40 : vector<32x32x192xf32> to vector<1024x192xf32>
    %get3A_42 = arith.constant 576 : index
    %get3A_43 = arith.constant 0 : index
    %get3A_44 = vector.load %arg2[%get3A_42, %get3A_43] : memref<1728x192xf32, #tpu.memory_space<vmem>>, vector<192x192xf32>
    %dot_general3A_45 = arith.constant dense<0.000000e+00> : vector<1024x192xf32>
    %dot_general3A_46 = tpu.matmul %reshape3A_41, %get3A_44, %dot_general3A_45 {dimension_numbers = #tpu.dot_dimension_numbers<[1], [0], [0], [1], [0, 0, 1, 1], [], []>, transpose_lhs_hint = false} : vector<1024x192xf32>, vector<192x192xf32>, vector<1024x192xf32> -> vector<1024x192xf32>
    %add3A_47 = arith.addf %add3A_34, %dot_general3A_46 : vector<1024x192xf32>
    %add3A_48 = arith.constant 1 : i32
    %add3A_49 = arith.addi %mul3A_0, %add3A_48 : i32
    %get3A_50 = arith.index_cast %add3A_49 : i32 to index
    %get3A_51 = arith.constant 1 : index
    %get3A_52 = arith.constant 0 : index
    %get3A_53 = vector.load %arg1[%get3A_50, %get3A_51, %get3A_52] : memref<34x34x192xf32, #tpu.memory_space<vmem>>, vector<32x32x192xf32>
    %reshape3A_54 = vector.shape_cast %get3A_53 : vector<32x32x192xf32> to vector<1024x192xf32>
    %get3A_55 = arith.constant 768 : index
    %get3A_56 = arith.constant 0 : index
    %get3A_57 = vector.load %arg2[%get3A_55, %get3A_56] : memref<1728x192xf32, #tpu.memory_space<vmem>>, vector<192x192xf32>
    %dot_general3A_58 = arith.constant dense<0.000000e+00> : vector<1024x192xf32>
    %dot_general3A_59 = tpu.matmul %reshape3A_54, %get3A_57, %dot_general3A_58 {dimension_numbers = #tpu.dot_dimension_numbers<[1], [0], [0], [1], [0, 0, 1, 1], [], []>, transpose_lhs_hint = false} : vector<1024x192xf32>, vector<192x192xf32>, vector<1024x192xf32> -> vector<1024x192xf32>
    %add3A_60 = arith.addf %add3A_47, %dot_general3A_59 : vector<1024x192xf32>
    %add3A_61 = arith.constant 1 : i32
    %add3A_62 = arith.addi %mul3A_0, %add3A_61 : i32
    %get3A_63 = arith.index_cast %add3A_62 : i32 to index
    %get3A_64 = arith.constant 2 : index
    %get3A_65 = arith.constant 0 : index
    %get3A_66 = vector.load %arg1[%get3A_63, %get3A_64, %get3A_65] : memref<34x34x192xf32, #tpu.memory_space<vmem>>, vector<32x32x192xf32>
    %reshape3A_67 = vector.shape_cast %get3A_66 : vector<32x32x192xf32> to vector<1024x192xf32>
    %get3A_68 = arith.constant 960 : index
    %get3A_69 = arith.constant 0 : index
    %get3A_70 = vector.load %arg2[%get3A_68, %get3A_69] : memref<1728x192xf32, #tpu.memory_space<vmem>>, vector<192x192xf32>
    %dot_general3A_71 = arith.constant dense<0.000000e+00> : vector<1024x192xf32>
    %dot_general3A_72 = tpu.matmul %reshape3A_67, %get3A_70, %dot_general3A_71 {dimension_numbers = #tpu.dot_dimension_numbers<[1], [0], [0], [1], [0, 0, 1, 1], [], []>, transpose_lhs_hint = false} : vector<1024x192xf32>, vector<192x192xf32>, vector<1024x192xf32> -> vector<1024x192xf32>
    %add3A_73 = arith.addf %add3A_60, %dot_general3A_72 : vector<1024x192xf32>
    %add3A_74 = arith.constant 2 : i32
    %add3A_75 = arith.addi %mul3A_0, %add3A_74 : i32
    %get3A_76 = arith.index_cast %add3A_75 : i32 to index
    %get3A_77 = arith.constant 0 : index
    %get3A_78 = arith.constant 0 : index
    %get3A_79 = vector.load %arg1[%get3A_76, %get3A_77, %get3A_78] : memref<34x34x192xf32, #tpu.memory_space<vmem>>, vector<32x32x192xf32>
    %reshape3A_80 = vector.shape_cast %get3A_79 : vector<32x32x192xf32> to vector<1024x192xf32>
    %get3A_81 = arith.constant 1152 : index
    %get3A_82 = arith.constant 0 : index
    %get3A_83 = vector.load %arg2[%get3A_81, %get3A_82] : memref<1728x192xf32, #tpu.memory_space<vmem>>, vector<192x192xf32>
    %dot_general3A_84 = arith.constant dense<0.000000e+00> : vector<1024x192xf32>
    %dot_general3A_85 = tpu.matmul %reshape3A_80, %get3A_83, %dot_general3A_84 {dimension_numbers = #tpu.dot_dimension_numbers<[1], [0], [0], [1], [0, 0, 1, 1], [], []>, transpose_lhs_hint = false} : vector<1024x192xf32>, vector<192x192xf32>, vector<1024x192xf32> -> vector<1024x192xf32>
    %add3A_86 = arith.addf %add3A_73, %dot_general3A_85 : vector<1024x192xf32>
    %add3A_87 = arith.constant 2 : i32
    %add3A_88 = arith.addi %mul3A_0, %add3A_87 : i32
    %get3A_89 = arith.index_cast %add3A_88 : i32 to index
    %get3A_90 = arith.constant 1 : index
    %get3A_91 = arith.constant 0 : index
    %get3A_92 = vector.load %arg1[%get3A_89, %get3A_90, %get3A_91] : memref<34x34x192xf32, #tpu.memory_space<vmem>>, vector<32x32x192xf32>
    %reshape3A_93 = vector.shape_cast %get3A_92 : vector<32x32x192xf32> to vector<1024x192xf32>
    %get3A_94 = arith.constant 1344 : index
    %get3A_95 = arith.constant 0 : index
    %get3A_96 = vector.load %arg2[%get3A_94, %get3A_95] : memref<1728x192xf32, #tpu.memory_space<vmem>>, vector<192x192xf32>
    %dot_general3A_97 = arith.constant dense<0.000000e+00> : vector<1024x192xf32>
    %dot_general3A_98 = tpu.matmul %reshape3A_93, %get3A_96, %dot_general3A_97 {dimension_numbers = #tpu.dot_dimension_numbers<[1], [0], [0], [1], [0, 0, 1, 1], [], []>, transpose_lhs_hint = false} : vector<1024x192xf32>, vector<192x192xf32>, vector<1024x192xf32> -> vector<1024x192xf32>
    %add3A_99 = arith.addf %add3A_86, %dot_general3A_98 : vector<1024x192xf32>
    %add3A_100 = arith.constant 2 : i32
    %add3A_101 = arith.addi %mul3A_0, %add3A_100 : i32
    %get3A_102 = arith.index_cast %add3A_101 : i32 to index
    %get3A_103 = arith.constant 2 : index
    %get3A_104 = arith.constant 0 : index
    %get3A_105 = vector.load %arg1[%get3A_102, %get3A_103, %get3A_104] : memref<34x34x192xf32, #tpu.memory_space<vmem>>, vector<32x32x192xf32>
    %reshape3A_106 = vector.shape_cast %get3A_105 : vector<32x32x192xf32> to vector<1024x192xf32>
    %get3A_107 = arith.constant 1536 : index
    %get3A_108 = arith.constant 0 : index
    %get3A_109 = vector.load %arg2[%get3A_107, %get3A_108] : memref<1728x192xf32, #tpu.memory_space<vmem>>, vector<192x192xf32>
    %dot_general3A_110 = arith.constant dense<0.000000e+00> : vector<1024x192xf32>
    %dot_general3A_111 = tpu.matmul %reshape3A_106, %get3A_109, %dot_general3A_110 {dimension_numbers = #tpu.dot_dimension_numbers<[1], [0], [0], [1], [0, 0, 1, 1], [], []>, transpose_lhs_hint = false} : vector<1024x192xf32>, vector<192x192xf32>, vector<1024x192xf32> -> vector<1024x192xf32>
    %add3A_112 = arith.addf %add3A_99, %dot_general3A_111 : vector<1024x192xf32>
    %get3A_113 = arith.constant 0 : index
    %get3A_114 = arith.constant 0 : index
    %get3A_115 = vector.load %arg3[%get3A_113, %get3A_114] : memref<1x192xf32, #tpu.memory_space<vmem>>, vector<1x192xf32>
    %add3A_116 = vector.broadcast %get3A_115 : vector<1x192xf32> to vector<1024x192xf32>
    %add3A_117 = arith.addf %add3A_112, %add3A_116 : vector<1024x192xf32>
    %max3A = arith.constant 0.000000e+00 : f32
    %max3A_118 = vector.broadcast %max3A : f32 to vector<1024x192xf32>
    %max3A_119 = arith.maximumf %add3A_117, %max3A_118 : vector<1024x192xf32>
    %get3A_120 = arith.constant 0 : index
    %get3A_121 = arith.constant 0 : index
    %get3A_122 = vector.load %arg4[%get3A_120, %get3A_121] : memref<192x36xf32, #tpu.memory_space<vmem>>, vector<192x36xf32>
    %dot_general3A_123 = arith.constant dense<0.000000e+00> : vector<1024x36xf32>
    %dot_general3A_124 = tpu.matmul %max3A_119, %get3A_122, %dot_general3A_123 {dimension_numbers = #tpu.dot_dimension_numbers<[1], [0], [0], [1], [0, 0, 1, 1], [], []>, transpose_lhs_hint = false} : vector<1024x192xf32>, vector<192x36xf32>, vector<1024x36xf32> -> vector<1024x36xf32>
    %get3A_125 = arith.constant 0 : index
    %get3A_126 = arith.constant 0 : index
    %get3A_127 = vector.load %arg5[%get3A_125, %get3A_126] : memref<1x36xf32, #tpu.memory_space<vmem>>, vector<1x36xf32>
    %add3A_128 = vector.broadcast %get3A_127 : vector<1x36xf32> to vector<1024x36xf32>
    %add3A_129 = arith.addf %dot_general3A_124, %add3A_128 : vector<1024x36xf32>
    %swap3A = arith.constant 0 : index
    %swap3A_130 = arith.constant 0 : index
    %swap3A_131 = vector.load %arg12[%swap3A, %swap3A_130] : memref<1024x36xf32, #tpu.memory_space<vmem>>, vector<1024x36xf32>
    tpu.vector_store %arg12[%swap3A, %swap3A_130], %add3A_129 {strides = array<i32>} : memref<1024x36xf32, #tpu.memory_space<vmem>>, vector<1024x36xf32>,
    %get3A_132 = arith.constant 0 : index
    %get3A_133 = arith.constant 0 : index
    %get3A_134 = vector.load %arg6[%get3A_132, %get3A_133] : memref<192x18xf32, #tpu.memory_space<vmem>>, vector<192x18xf32>
    %dot_general3A_135 = arith.constant dense<0.000000e+00> : vector<1024x18xf32>
    %dot_general3A_136 = tpu.matmul %max3A_119, %get3A_134, %dot_general3A_135 {dimension_numbers = #tpu.dot_dimension_numbers<[1], [0], [0], [1], [0, 0, 1, 1], [], []>, transpose_lhs_hint = false} : vector<1024x192xf32>, vector<192x18xf32>, vector<1024x18xf32> -> vector<1024x18xf32>
    %get3A_137 = arith.constant 0 : index
    %get3A_138 = arith.constant 0 : index
    %get3A_139 = vector.load %arg7[%get3A_137, %get3A_138] : memref<1x18xf32, #tpu.memory_space<vmem>>, vector<1x18xf32>
    %add3A_140 = vector.broadcast %get3A_139 : vector<1x18xf32> to vector<1024x18xf32>
    %add3A_141 = arith.addf %dot_general3A_136, %add3A_140 : vector<1024x18xf32>
    %swap3A_142 = arith.constant 0 : index
    %swap3A_143 = arith.constant 0 : index
    %swap3A_144 = vector.load %arg13[%swap3A_142, %swap3A_143] : memref<1024x18xf32, #tpu.memory_space<vmem>>, vector<1024x18xf32>
    tpu.vector_store %arg13[%swap3A_142, %swap3A_143], %add3A_141 {strides = array<i32>} : memref<1024x18xf32, #tpu.memory_space<vmem>>, vector<1024x18xf32>,
    %get3A_145 = arith.constant 0 : index
    %get3A_146 = arith.constant 0 : index
    %get3A_147 = vector.load %arg8[%get3A_145, %get3A_146] : memref<192x9xf32, #tpu.memory_space<vmem>>, vector<192x9xf32>
    %dot_general3A_148 = arith.constant dense<0.000000e+00> : vector<1024x9xf32>
    %dot_general3A_149 = tpu.matmul %max3A_119, %get3A_147, %dot_general3A_148 {dimension_numbers = #tpu.dot_dimension_numbers<[1], [0], [0], [1], [0, 0, 1, 1], [], []>, transpose_lhs_hint = false} : vector<1024x192xf32>, vector<192x9xf32>, vector<1024x9xf32> -> vector<1024x9xf32>
    %get3A_150 = arith.constant 0 : index
    %get3A_151 = arith.constant 0 : index
    %get3A_152 = vector.load %arg9[%get3A_150, %get3A_151] : memref<1x9xf32, #tpu.memory_space<vmem>>, vector<1x9xf32>
    %add3A_153 = vector.broadcast %get3A_152 : vector<1x9xf32> to vector<1024x9xf32>
    %add3A_154 = arith.addf %dot_general3A_149, %add3A_153 : vector<1024x9xf32>
    %get3A_155 = arith.constant 0 : index
    %get3A_156 = arith.constant 0 : index
    %get3A_157 = vector.load %arg10[%get3A_155, %get3A_156] : memref<192x9xf32, #tpu.memory_space<vmem>>, vector<192x9xf32>
    %dot_general3A_158 = arith.constant dense<0.000000e+00> : vector<1024x9xf32>
    %dot_general3A_159 = tpu.matmul %max3A_119, %get3A_157, %dot_general3A_158 {dimension_numbers = #tpu.dot_dimension_numbers<[1], [0], [0], [1], [0, 0, 1, 1], [], []>, transpose_lhs_hint = false} : vector<1024x192xf32>, vector<192x9xf32>, vector<1024x9xf32> -> vector<1024x9xf32>
    %get3A_160 = arith.constant 0 : index
    %get3A_161 = arith.constant 0 : index
    %get3A_162 = vector.load %arg11[%get3A_160, %get3A_161] : memref<1x9xf32, #tpu.memory_space<vmem>>, vector<1x9xf32>
    %add3A_163 = vector.broadcast %get3A_162 : vector<1x9xf32> to vector<1024x9xf32>
    %add3A_164 = arith.addf %dot_general3A_159, %add3A_163 : vector<1024x9xf32>
    %max3A_165 = arith.maximumf %add3A_154, %add3A_164 : vector<1024x9xf32>
    %sub3A = arith.subf %add3A_154, %max3A_165 : vector<1024x9xf32>
    %exp3A = math.exp %sub3A : vector<1024x9xf32>
    %sub3A_166 = arith.subf %add3A_164, %max3A_165 : vector<1024x9xf32>
    %exp3A_167 = math.exp %sub3A_166 : vector<1024x9xf32>
    %add3A_168 = arith.addf %exp3A, %exp3A_167 : vector<1024x9xf32>
    %div3A = arith.divf %exp3A_167, %add3A_168 : vector<1024x9xf32>
    %swap3A_169 = arith.constant 0 : index
    %swap3A_170 = arith.constant 0 : index
    %swap3A_171 = vector.load %arg14[%swap3A_169, %swap3A_170] : memref<1024x9xf32, #tpu.memory_space<vmem>>, vector<1024x9xf32>
    tpu.vector_store %arg14[%swap3A_169, %swap3A_170], %div3A {strides = array<i32>} : memref<1024x9xf32, #tpu.memory_space<vmem>>, vector<1024x9xf32>,
    return
  }
  func.func @transform_0(%arg0: i32) -> (i32, i32, i32) {
    %c0_i32 = arith.constant 0 : i32
    %c0_i32_0 = arith.constant 0 : i32
    %c0_i32_1 = arith.constant 0 : i32
    %c0_i32_2 = arith.constant 0 : i32
    return %c0_i32, %c0_i32_0, %c0_i32_1 : i32, i32, i32
  }
  func.func @transform_1(%arg0: i32) -> (i32, i32) {
    %c0_i32 = arith.constant 0 : i32
    %c0_i32_0 = arith.constant 0 : i32
    %c0_i32_1 = arith.constant 0 : i32
    return %c0_i32, %c0_i32_0 : i32, i32
  }
  func.func @transform_2(%arg0: i32) -> (i32, i32) {
    %c0_i32 = arith.constant 0 : i32
    %c0_i32_0 = arith.constant 0 : i32
    %c0_i32_1 = arith.constant 0 : i32
    return %c0_i32, %c0_i32_0 : i32, i32
  }
  func.func @transform_3(%arg0: i32) -> (i32, i32) {
    %c0_i32 = arith.constant 0 : i32
    %c0_i32_0 = arith.constant 0 : i32
    %c0_i32_1 = arith.constant 0 : i32
    return %c0_i32, %c0_i32_0 : i32, i32
  }
  func.func @transform_4(%arg0: i32) -> (i32, i32) {
    %c0_i32 = arith.constant 0 : i32
    %c0_i32_0 = arith.constant 0 : i32
    %c0_i32_1 = arith.constant 0 : i32
    return %c0_i32, %c0_i32_0 : i32, i32
  }
  func.func @transform_5(%arg0: i32) -> (i32, i32) {
    %c0_i32 = arith.constant 0 : i32
    %c0_i32_0 = arith.constant 0 : i32
    %c0_i32_1 = arith.constant 0 : i32
    return %c0_i32, %c0_i32_0 : i32, i32
  }
  func.func @transform_6(%arg0: i32) -> (i32, i32) {
    %c0_i32 = arith.constant 0 : i32
    %c0_i32_0 = arith.constant 0 : i32
    %c0_i32_1 = arith.constant 0 : i32
    return %c0_i32, %c0_i32_0 : i32, i32
  }
  func.func @transform_7(%arg0: i32) -> (i32, i32) {
    %c0_i32 = arith.constant 0 : i32
    %c0_i32_0 = arith.constant 0 : i32
    %c0_i32_1 = arith.constant 0 : i32
    return %c0_i32, %c0_i32_0 : i32, i32
  }
  func.func @transform_8(%arg0: i32) -> (i32, i32) {
    %c0_i32 = arith.constant 0 : i32
    %c0_i32_0 = arith.constant 0 : i32
    %c0_i32_1 = arith.constant 0 : i32
    return %c0_i32, %c0_i32_0 : i32, i32
  }
  func.func @transform_9(%arg0: i32) -> (i32, i32) {
    %c0_i32 = arith.constant 0 : i32
    %c0_i32_0 = arith.constant 0 : i32
    %c0_i32_1 = arith.constant 0 : i32
    return %c0_i32, %c0_i32_0 : i32, i32
  }
  func.func @transform_10(%arg0: i32) -> (i32, i32) {
    %c0_i32 = arith.constant 0 : i32
    %c0_i32_0 = arith.constant 0 : i32
    %c0_i32_1 = arith.constant 0 : i32
    return %c0_i32, %c0_i32_0 : i32, i32
  }
  func.func @transform_11(%arg0: i32) -> (i32, i32) {
    %c0_i32 = arith.constant 0 : i32
    %c0_i32_0 = arith.constant 0 : i32
    return %arg0, %c0_i32 : i32, i32
  }
  func.func @transform_12(%arg0: i32) -> (i32, i32) {
    %c0_i32 = arith.constant 0 : i32
    %c0_i32_0 = arith.constant 0 : i32
    return %arg0, %c0_i32 : i32, i32
  }
  func.func @transform_13(%arg0: i32) -> (i32, i32) {
    %c0_i32 = arith.constant 0 : i32
    %c0_i32_0 = arith.constant 0 : i32
    return %arg0, %c0_i32 : i32, i32
  }
}

module attributes {stable_mosaic.version = 14 : i64} {
  func.func @_head_body(%arg0: i32, %arg1: memref<66x66x192xf32, #tpu.memory_space<vmem>>, %arg2: memref<1728x192xf32, #tpu.memory_space<vmem>>, %arg3: memref<1x192xf32, #tpu.memory_space<vmem>>, %arg4: memref<192x36xf32, #tpu.memory_space<vmem>>, %arg5: memref<1x36xf32, #tpu.memory_space<vmem>>, %arg6: memref<192x18xf32, #tpu.memory_space<vmem>>, %arg7: memref<1x18xf32, #tpu.memory_space<vmem>>, %arg8: memref<192x9xf32, #tpu.memory_space<vmem>>, %arg9: memref<1x9xf32, #tpu.memory_space<vmem>>, %arg10: memref<192x9xf32, #tpu.memory_space<vmem>>, %arg11: memref<1x9xf32, #tpu.memory_space<vmem>>, %arg12: memref<1024x36xf32, #tpu.memory_space<vmem>>, %arg13: memref<1024x18xf32, #tpu.memory_space<vmem>>, %arg14: memref<1024x9xf32, #tpu.memory_space<vmem>>) attributes {dimension_semantics = [#tpu.dimension_semantics<arbitrary>], iteration_bounds = array<i64: 4>, scalar_prefetch = 0 : i64, scratch_operands = 0 : i64, tpu.core_type = #tpu.core_type<tc>, window_params = [{pipeline_mode = #tpu.pipeline_mode<synchronous>, transform_indices = @transform_0, window_bounds = array<i64: 66, 66, 192>}, {pipeline_mode = #tpu.pipeline_mode<synchronous>, transform_indices = @transform_1, window_bounds = array<i64: 1728, 192>}, {pipeline_mode = #tpu.pipeline_mode<synchronous>, transform_indices = @transform_2, window_bounds = array<i64: 1, 192>}, {pipeline_mode = #tpu.pipeline_mode<synchronous>, transform_indices = @transform_3, window_bounds = array<i64: 192, 36>}, {pipeline_mode = #tpu.pipeline_mode<synchronous>, transform_indices = @transform_4, window_bounds = array<i64: 1, 36>}, {pipeline_mode = #tpu.pipeline_mode<synchronous>, transform_indices = @transform_5, window_bounds = array<i64: 192, 18>}, {pipeline_mode = #tpu.pipeline_mode<synchronous>, transform_indices = @transform_6, window_bounds = array<i64: 1, 18>}, {pipeline_mode = #tpu.pipeline_mode<synchronous>, transform_indices = @transform_7, window_bounds = array<i64: 192, 9>}, {pipeline_mode = #tpu.pipeline_mode<synchronous>, transform_indices = @transform_8, window_bounds = array<i64: 1, 9>}, {pipeline_mode = #tpu.pipeline_mode<synchronous>, transform_indices = @transform_9, window_bounds = array<i64: 192, 9>}, {pipeline_mode = #tpu.pipeline_mode<synchronous>, transform_indices = @transform_10, window_bounds = array<i64: 1, 9>}, {transform_indices = @transform_11, window_bounds = array<i64: 1024, 36>}, {transform_indices = @transform_12, window_bounds = array<i64: 1024, 18>}, {transform_indices = @transform_13, window_bounds = array<i64: 1024, 9>}]} {
    %mul3A = arith.constant 16 : i32
    %mul3A_0 = arith.muli %arg0, %mul3A : i32
    %add3A = arith.constant 0 : i32
    %add3A_1 = arith.addi %mul3A_0, %add3A : i32
    %get3A = arith.index_cast %add3A_1 : i32 to index
    %get3A_2 = arith.constant 0 : index
    %get3A_3 = arith.constant 0 : index
    %get3A_4 = vector.load %arg1[%get3A, %get3A_2, %get3A_3] : memref<66x66x192xf32, #tpu.memory_space<vmem>>, vector<16x64x192xf32>
    %reshape3A = vector.shape_cast %get3A_4 : vector<16x64x192xf32> to vector<1024x192xf32>
    %get3A_5 = arith.constant 0 : index
    %get3A_6 = arith.constant 0 : index
    %get3A_7 = vector.load %arg2[%get3A_5, %get3A_6] : memref<1728x192xf32, #tpu.memory_space<vmem>>, vector<192x192xf32>
    %dot_general3A = arith.constant dense<0.000000e+00> : vector<1024x192xf32>
    %dot_general3A_8 = tpu.matmul %reshape3A, %get3A_7, %dot_general3A {dimension_numbers = #tpu.dot_dimension_numbers<[1], [0], [0], [1], [0, 0, 1, 1], [], []>, transpose_lhs_hint = false} : vector<1024x192xf32>, vector<192x192xf32>, vector<1024x192xf32> -> vector<1024x192xf32>
    %add3A_9 = arith.constant 0 : i32
    %add3A_10 = arith.addi %mul3A_0, %add3A_9 : i32
    %get3A_11 = arith.index_cast %add3A_10 : i32 to index
    %get3A_12 = arith.constant 1 : index
    %get3A_13 = arith.constant 0 : index
    %get3A_14 = vector.load %arg1[%get3A_11, %get3A_12, %get3A_13] : memref<66x66x192xf32, #tpu.memory_space<vmem>>, vector<16x64x192xf32>
    %reshape3A_15 = vector.shape_cast %get3A_14 : vector<16x64x192xf32> to vector<1024x192xf32>
    %get3A_16 = arith.constant 192 : index
    %get3A_17 = arith.constant 0 : index
    %get3A_18 = vector.load %arg2[%get3A_16, %get3A_17] : memref<1728x192xf32, #tpu.memory_space<vmem>>, vector<192x192xf32>
    %dot_general3A_19 = arith.constant dense<0.000000e+00> : vector<1024x192xf32>
    %dot_general3A_20 = tpu.matmul %reshape3A_15, %get3A_18, %dot_general3A_19 {dimension_numbers = #tpu.dot_dimension_numbers<[1], [0], [0], [1], [0, 0, 1, 1], [], []>, transpose_lhs_hint = false} : vector<1024x192xf32>, vector<192x192xf32>, vector<1024x192xf32> -> vector<1024x192xf32>
    %add3A_21 = arith.addf %dot_general3A_8, %dot_general3A_20 : vector<1024x192xf32>
    %add3A_22 = arith.constant 0 : i32
    %add3A_23 = arith.addi %mul3A_0, %add3A_22 : i32
    %get3A_24 = arith.index_cast %add3A_23 : i32 to index
    %get3A_25 = arith.constant 2 : index
    %get3A_26 = arith.constant 0 : index
    %get3A_27 = vector.load %arg1[%get3A_24, %get3A_25, %get3A_26] : memref<66x66x192xf32, #tpu.memory_space<vmem>>, vector<16x64x192xf32>
    %reshape3A_28 = vector.shape_cast %get3A_27 : vector<16x64x192xf32> to vector<1024x192xf32>
    %get3A_29 = arith.constant 384 : index
    %get3A_30 = arith.constant 0 : index
    %get3A_31 = vector.load %arg2[%get3A_29, %get3A_30] : memref<1728x192xf32, #tpu.memory_space<vmem>>, vector<192x192xf32>
    %dot_general3A_32 = arith.constant dense<0.000000e+00> : vector<1024x192xf32>
    %dot_general3A_33 = tpu.matmul %reshape3A_28, %get3A_31, %dot_general3A_32 {dimension_numbers = #tpu.dot_dimension_numbers<[1], [0], [0], [1], [0, 0, 1, 1], [], []>, transpose_lhs_hint = false} : vector<1024x192xf32>, vector<192x192xf32>, vector<1024x192xf32> -> vector<1024x192xf32>
    %add3A_34 = arith.addf %add3A_21, %dot_general3A_33 : vector<1024x192xf32>
    %add3A_35 = arith.constant 1 : i32
    %add3A_36 = arith.addi %mul3A_0, %add3A_35 : i32
    %get3A_37 = arith.index_cast %add3A_36 : i32 to index
    %get3A_38 = arith.constant 0 : index
    %get3A_39 = arith.constant 0 : index
    %get3A_40 = vector.load %arg1[%get3A_37, %get3A_38, %get3A_39] : memref<66x66x192xf32, #tpu.memory_space<vmem>>, vector<16x64x192xf32>
    %reshape3A_41 = vector.shape_cast %get3A_40 : vector<16x64x192xf32> to vector<1024x192xf32>
    %get3A_42 = arith.constant 576 : index
    %get3A_43 = arith.constant 0 : index
    %get3A_44 = vector.load %arg2[%get3A_42, %get3A_43] : memref<1728x192xf32, #tpu.memory_space<vmem>>, vector<192x192xf32>
    %dot_general3A_45 = arith.constant dense<0.000000e+00> : vector<1024x192xf32>
    %dot_general3A_46 = tpu.matmul %reshape3A_41, %get3A_44, %dot_general3A_45 {dimension_numbers = #tpu.dot_dimension_numbers<[1], [0], [0], [1], [0, 0, 1, 1], [], []>, transpose_lhs_hint = false} : vector<1024x192xf32>, vector<192x192xf32>, vector<1024x192xf32> -> vector<1024x192xf32>
    %add3A_47 = arith.addf %add3A_34, %dot_general3A_46 : vector<1024x192xf32>
    %add3A_48 = arith.constant 1 : i32
    %add3A_49 = arith.addi %mul3A_0, %add3A_48 : i32
    %get3A_50 = arith.index_cast %add3A_49 : i32 to index
    %get3A_51 = arith.constant 1 : index
    %get3A_52 = arith.constant 0 : index
    %get3A_53 = vector.load %arg1[%get3A_50, %get3A_51, %get3A_52] : memref<66x66x192xf32, #tpu.memory_space<vmem>>, vector<16x64x192xf32>
    %reshape3A_54 = vector.shape_cast %get3A_53 : vector<16x64x192xf32> to vector<1024x192xf32>
    %get3A_55 = arith.constant 768 : index
    %get3A_56 = arith.constant 0 : index
    %get3A_57 = vector.load %arg2[%get3A_55, %get3A_56] : memref<1728x192xf32, #tpu.memory_space<vmem>>, vector<192x192xf32>
    %dot_general3A_58 = arith.constant dense<0.000000e+00> : vector<1024x192xf32>
    %dot_general3A_59 = tpu.matmul %reshape3A_54, %get3A_57, %dot_general3A_58 {dimension_numbers = #tpu.dot_dimension_numbers<[1], [0], [0], [1], [0, 0, 1, 1], [], []>, transpose_lhs_hint = false} : vector<1024x192xf32>, vector<192x192xf32>, vector<1024x192xf32> -> vector<1024x192xf32>
    %add3A_60 = arith.addf %add3A_47, %dot_general3A_59 : vector<1024x192xf32>
    %add3A_61 = arith.constant 1 : i32
    %add3A_62 = arith.addi %mul3A_0, %add3A_61 : i32
    %get3A_63 = arith.index_cast %add3A_62 : i32 to index
    %get3A_64 = arith.constant 2 : index
    %get3A_65 = arith.constant 0 : index
    %get3A_66 = vector.load %arg1[%get3A_63, %get3A_64, %get3A_65] : memref<66x66x192xf32, #tpu.memory_space<vmem>>, vector<16x64x192xf32>
    %reshape3A_67 = vector.shape_cast %get3A_66 : vector<16x64x192xf32> to vector<1024x192xf32>
    %get3A_68 = arith.constant 960 : index
    %get3A_69 = arith.constant 0 : index
    %get3A_70 = vector.load %arg2[%get3A_68, %get3A_69] : memref<1728x192xf32, #tpu.memory_space<vmem>>, vector<192x192xf32>
    %dot_general3A_71 = arith.constant dense<0.000000e+00> : vector<1024x192xf32>
    %dot_general3A_72 = tpu.matmul %reshape3A_67, %get3A_70, %dot_general3A_71 {dimension_numbers = #tpu.dot_dimension_numbers<[1], [0], [0], [1], [0, 0, 1, 1], [], []>, transpose_lhs_hint = false} : vector<1024x192xf32>, vector<192x192xf32>, vector<1024x192xf32> -> vector<1024x192xf32>
    %add3A_73 = arith.addf %add3A_60, %dot_general3A_72 : vector<1024x192xf32>
    %add3A_74 = arith.constant 2 : i32
    %add3A_75 = arith.addi %mul3A_0, %add3A_74 : i32
    %get3A_76 = arith.index_cast %add3A_75 : i32 to index
    %get3A_77 = arith.constant 0 : index
    %get3A_78 = arith.constant 0 : index
    %get3A_79 = vector.load %arg1[%get3A_76, %get3A_77, %get3A_78] : memref<66x66x192xf32, #tpu.memory_space<vmem>>, vector<16x64x192xf32>
    %reshape3A_80 = vector.shape_cast %get3A_79 : vector<16x64x192xf32> to vector<1024x192xf32>
    %get3A_81 = arith.constant 1152 : index
    %get3A_82 = arith.constant 0 : index
    %get3A_83 = vector.load %arg2[%get3A_81, %get3A_82] : memref<1728x192xf32, #tpu.memory_space<vmem>>, vector<192x192xf32>
    %dot_general3A_84 = arith.constant dense<0.000000e+00> : vector<1024x192xf32>
    %dot_general3A_85 = tpu.matmul %reshape3A_80, %get3A_83, %dot_general3A_84 {dimension_numbers = #tpu.dot_dimension_numbers<[1], [0], [0], [1], [0, 0, 1, 1], [], []>, transpose_lhs_hint = false} : vector<1024x192xf32>, vector<192x192xf32>, vector<1024x192xf32> -> vector<1024x192xf32>
    %add3A_86 = arith.addf %add3A_73, %dot_general3A_85 : vector<1024x192xf32>
    %add3A_87 = arith.constant 2 : i32
    %add3A_88 = arith.addi %mul3A_0, %add3A_87 : i32
    %get3A_89 = arith.index_cast %add3A_88 : i32 to index
    %get3A_90 = arith.constant 1 : index
    %get3A_91 = arith.constant 0 : index
    %get3A_92 = vector.load %arg1[%get3A_89, %get3A_90, %get3A_91] : memref<66x66x192xf32, #tpu.memory_space<vmem>>, vector<16x64x192xf32>
    %reshape3A_93 = vector.shape_cast %get3A_92 : vector<16x64x192xf32> to vector<1024x192xf32>
    %get3A_94 = arith.constant 1344 : index
    %get3A_95 = arith.constant 0 : index
    %get3A_96 = vector.load %arg2[%get3A_94, %get3A_95] : memref<1728x192xf32, #tpu.memory_space<vmem>>, vector<192x192xf32>
    %dot_general3A_97 = arith.constant dense<0.000000e+00> : vector<1024x192xf32>
    %dot_general3A_98 = tpu.matmul %reshape3A_93, %get3A_96, %dot_general3A_97 {dimension_numbers = #tpu.dot_dimension_numbers<[1], [0], [0], [1], [0, 0, 1, 1], [], []>, transpose_lhs_hint = false} : vector<1024x192xf32>, vector<192x192xf32>, vector<1024x192xf32> -> vector<1024x192xf32>
    %add3A_99 = arith.addf %add3A_86, %dot_general3A_98 : vector<1024x192xf32>
    %add3A_100 = arith.constant 2 : i32
    %add3A_101 = arith.addi %mul3A_0, %add3A_100 : i32
    %get3A_102 = arith.index_cast %add3A_101 : i32 to index
    %get3A_103 = arith.constant 2 : index
    %get3A_104 = arith.constant 0 : index
    %get3A_105 = vector.load %arg1[%get3A_102, %get3A_103, %get3A_104] : memref<66x66x192xf32, #tpu.memory_space<vmem>>, vector<16x64x192xf32>
    %reshape3A_106 = vector.shape_cast %get3A_105 : vector<16x64x192xf32> to vector<1024x192xf32>
    %get3A_107 = arith.constant 1536 : index
    %get3A_108 = arith.constant 0 : index
    %get3A_109 = vector.load %arg2[%get3A_107, %get3A_108] : memref<1728x192xf32, #tpu.memory_space<vmem>>, vector<192x192xf32>
    %dot_general3A_110 = arith.constant dense<0.000000e+00> : vector<1024x192xf32>
    %dot_general3A_111 = tpu.matmul %reshape3A_106, %get3A_109, %dot_general3A_110 {dimension_numbers = #tpu.dot_dimension_numbers<[1], [0], [0], [1], [0, 0, 1, 1], [], []>, transpose_lhs_hint = false} : vector<1024x192xf32>, vector<192x192xf32>, vector<1024x192xf32> -> vector<1024x192xf32>
    %add3A_112 = arith.addf %add3A_99, %dot_general3A_111 : vector<1024x192xf32>
    %get3A_113 = arith.constant 0 : index
    %get3A_114 = arith.constant 0 : index
    %get3A_115 = vector.load %arg3[%get3A_113, %get3A_114] : memref<1x192xf32, #tpu.memory_space<vmem>>, vector<1x192xf32>
    %add3A_116 = vector.broadcast %get3A_115 : vector<1x192xf32> to vector<1024x192xf32>
    %add3A_117 = arith.addf %add3A_112, %add3A_116 : vector<1024x192xf32>
    %max3A = arith.constant 0.000000e+00 : f32
    %max3A_118 = vector.broadcast %max3A : f32 to vector<1024x192xf32>
    %max3A_119 = arith.maximumf %add3A_117, %max3A_118 : vector<1024x192xf32>
    %get3A_120 = arith.constant 0 : index
    %get3A_121 = arith.constant 0 : index
    %get3A_122 = vector.load %arg4[%get3A_120, %get3A_121] : memref<192x36xf32, #tpu.memory_space<vmem>>, vector<192x36xf32>
    %dot_general3A_123 = arith.constant dense<0.000000e+00> : vector<1024x36xf32>
    %dot_general3A_124 = tpu.matmul %max3A_119, %get3A_122, %dot_general3A_123 {dimension_numbers = #tpu.dot_dimension_numbers<[1], [0], [0], [1], [0, 0, 1, 1], [], []>, transpose_lhs_hint = false} : vector<1024x192xf32>, vector<192x36xf32>, vector<1024x36xf32> -> vector<1024x36xf32>
    %get3A_125 = arith.constant 0 : index
    %get3A_126 = arith.constant 0 : index
    %get3A_127 = vector.load %arg5[%get3A_125, %get3A_126] : memref<1x36xf32, #tpu.memory_space<vmem>>, vector<1x36xf32>
    %add3A_128 = vector.broadcast %get3A_127 : vector<1x36xf32> to vector<1024x36xf32>
    %add3A_129 = arith.addf %dot_general3A_124, %add3A_128 : vector<1024x36xf32>
    %swap3A = arith.constant 0 : index
    %swap3A_130 = arith.constant 0 : index
    %swap3A_131 = vector.load %arg12[%swap3A, %swap3A_130] : memref<1024x36xf32, #tpu.memory_space<vmem>>, vector<1024x36xf32>
    tpu.vector_store %arg12[%swap3A, %swap3A_130], %add3A_129 {strides = array<i32>} : memref<1024x36xf32, #tpu.memory_space<vmem>>, vector<1024x36xf32>,
    %get3A_132 = arith.constant 0 : index
    %get3A_133 = arith.constant 0 : index
    %get3A_134 = vector.load %arg6[%get3A_132, %get3A_133] : memref<192x18xf32, #tpu.memory_space<vmem>>, vector<192x18xf32>
    %dot_general3A_135 = arith.constant dense<0.000000e+00> : vector<1024x18xf32>
    %dot_general3A_136 = tpu.matmul %max3A_119, %get3A_134, %dot_general3A_135 {dimension_numbers = #tpu.dot_dimension_numbers<[1], [0], [0], [1], [0, 0, 1, 1], [], []>, transpose_lhs_hint = false} : vector<1024x192xf32>, vector<192x18xf32>, vector<1024x18xf32> -> vector<1024x18xf32>
    %get3A_137 = arith.constant 0 : index
    %get3A_138 = arith.constant 0 : index
    %get3A_139 = vector.load %arg7[%get3A_137, %get3A_138] : memref<1x18xf32, #tpu.memory_space<vmem>>, vector<1x18xf32>
    %add3A_140 = vector.broadcast %get3A_139 : vector<1x18xf32> to vector<1024x18xf32>
    %add3A_141 = arith.addf %dot_general3A_136, %add3A_140 : vector<1024x18xf32>
    %swap3A_142 = arith.constant 0 : index
    %swap3A_143 = arith.constant 0 : index
    %swap3A_144 = vector.load %arg13[%swap3A_142, %swap3A_143] : memref<1024x18xf32, #tpu.memory_space<vmem>>, vector<1024x18xf32>
    tpu.vector_store %arg13[%swap3A_142, %swap3A_143], %add3A_141 {strides = array<i32>} : memref<1024x18xf32, #tpu.memory_space<vmem>>, vector<1024x18xf32>,
    %get3A_145 = arith.constant 0 : index
    %get3A_146 = arith.constant 0 : index
    %get3A_147 = vector.load %arg8[%get3A_145, %get3A_146] : memref<192x9xf32, #tpu.memory_space<vmem>>, vector<192x9xf32>
    %dot_general3A_148 = arith.constant dense<0.000000e+00> : vector<1024x9xf32>
    %dot_general3A_149 = tpu.matmul %max3A_119, %get3A_147, %dot_general3A_148 {dimension_numbers = #tpu.dot_dimension_numbers<[1], [0], [0], [1], [0, 0, 1, 1], [], []>, transpose_lhs_hint = false} : vector<1024x192xf32>, vector<192x9xf32>, vector<1024x9xf32> -> vector<1024x9xf32>
    %get3A_150 = arith.constant 0 : index
    %get3A_151 = arith.constant 0 : index
    %get3A_152 = vector.load %arg9[%get3A_150, %get3A_151] : memref<1x9xf32, #tpu.memory_space<vmem>>, vector<1x9xf32>
    %add3A_153 = vector.broadcast %get3A_152 : vector<1x9xf32> to vector<1024x9xf32>
    %add3A_154 = arith.addf %dot_general3A_149, %add3A_153 : vector<1024x9xf32>
    %get3A_155 = arith.constant 0 : index
    %get3A_156 = arith.constant 0 : index
    %get3A_157 = vector.load %arg10[%get3A_155, %get3A_156] : memref<192x9xf32, #tpu.memory_space<vmem>>, vector<192x9xf32>
    %dot_general3A_158 = arith.constant dense<0.000000e+00> : vector<1024x9xf32>
    %dot_general3A_159 = tpu.matmul %max3A_119, %get3A_157, %dot_general3A_158 {dimension_numbers = #tpu.dot_dimension_numbers<[1], [0], [0], [1], [0, 0, 1, 1], [], []>, transpose_lhs_hint = false} : vector<1024x192xf32>, vector<192x9xf32>, vector<1024x9xf32> -> vector<1024x9xf32>
    %get3A_160 = arith.constant 0 : index
    %get3A_161 = arith.constant 0 : index
    %get3A_162 = vector.load %arg11[%get3A_160, %get3A_161] : memref<1x9xf32, #tpu.memory_space<vmem>>, vector<1x9xf32>
    %add3A_163 = vector.broadcast %get3A_162 : vector<1x9xf32> to vector<1024x9xf32>
    %add3A_164 = arith.addf %dot_general3A_159, %add3A_163 : vector<1024x9xf32>
    %max3A_165 = arith.maximumf %add3A_154, %add3A_164 : vector<1024x9xf32>
    %sub3A = arith.subf %add3A_154, %max3A_165 : vector<1024x9xf32>
    %exp3A = math.exp %sub3A : vector<1024x9xf32>
    %sub3A_166 = arith.subf %add3A_164, %max3A_165 : vector<1024x9xf32>
    %exp3A_167 = math.exp %sub3A_166 : vector<1024x9xf32>
    %add3A_168 = arith.addf %exp3A, %exp3A_167 : vector<1024x9xf32>
    %div3A = arith.divf %exp3A_167, %add3A_168 : vector<1024x9xf32>
    %swap3A_169 = arith.constant 0 : index
    %swap3A_170 = arith.constant 0 : index
    %swap3A_171 = vector.load %arg14[%swap3A_169, %swap3A_170] : memref<1024x9xf32, #tpu.memory_space<vmem>>, vector<1024x9xf32>
    tpu.vector_store %arg14[%swap3A_169, %swap3A_170], %div3A {strides = array<i32>} : memref<1024x9xf32, #tpu.memory_space<vmem>>, vector<1024x9xf32>,
    return
  }
  func.func @transform_0(%arg0: i32) -> (i32, i32, i32) {
    %c0_i32 = arith.constant 0 : i32
    %c0_i32_0 = arith.constant 0 : i32
    %c0_i32_1 = arith.constant 0 : i32
    %c0_i32_2 = arith.constant 0 : i32
    return %c0_i32, %c0_i32_0, %c0_i32_1 : i32, i32, i32
  }
  func.func @transform_1(%arg0: i32) -> (i32, i32) {
    %c0_i32 = arith.constant 0 : i32
    %c0_i32_0 = arith.constant 0 : i32
    %c0_i32_1 = arith.constant 0 : i32
    return %c0_i32, %c0_i32_0 : i32, i32
  }
  func.func @transform_2(%arg0: i32) -> (i32, i32) {
    %c0_i32 = arith.constant 0 : i32
    %c0_i32_0 = arith.constant 0 : i32
    %c0_i32_1 = arith.constant 0 : i32
    return %c0_i32, %c0_i32_0 : i32, i32
  }
  func.func @transform_3(%arg0: i32) -> (i32, i32) {
    %c0_i32 = arith.constant 0 : i32
    %c0_i32_0 = arith.constant 0 : i32
    %c0_i32_1 = arith.constant 0 : i32
    return %c0_i32, %c0_i32_0 : i32, i32
  }
  func.func @transform_4(%arg0: i32) -> (i32, i32) {
    %c0_i32 = arith.constant 0 : i32
    %c0_i32_0 = arith.constant 0 : i32
    %c0_i32_1 = arith.constant 0 : i32
    return %c0_i32, %c0_i32_0 : i32, i32
  }
  func.func @transform_5(%arg0: i32) -> (i32, i32) {
    %c0_i32 = arith.constant 0 : i32
    %c0_i32_0 = arith.constant 0 : i32
    %c0_i32_1 = arith.constant 0 : i32
    return %c0_i32, %c0_i32_0 : i32, i32
  }
  func.func @transform_6(%arg0: i32) -> (i32, i32) {
    %c0_i32 = arith.constant 0 : i32
    %c0_i32_0 = arith.constant 0 : i32
    %c0_i32_1 = arith.constant 0 : i32
    return %c0_i32, %c0_i32_0 : i32, i32
  }
  func.func @transform_7(%arg0: i32) -> (i32, i32) {
    %c0_i32 = arith.constant 0 : i32
    %c0_i32_0 = arith.constant 0 : i32
    %c0_i32_1 = arith.constant 0 : i32
    return %c0_i32, %c0_i32_0 : i32, i32
  }
  func.func @transform_8(%arg0: i32) -> (i32, i32) {
    %c0_i32 = arith.constant 0 : i32
    %c0_i32_0 = arith.constant 0 : i32
    %c0_i32_1 = arith.constant 0 : i32
    return %c0_i32, %c0_i32_0 : i32, i32
  }
  func.func @transform_9(%arg0: i32) -> (i32, i32) {
    %c0_i32 = arith.constant 0 : i32
    %c0_i32_0 = arith.constant 0 : i32
    %c0_i32_1 = arith.constant 0 : i32
    return %c0_i32, %c0_i32_0 : i32, i32
  }
  func.func @transform_10(%arg0: i32) -> (i32, i32) {
    %c0_i32 = arith.constant 0 : i32
    %c0_i32_0 = arith.constant 0 : i32
    %c0_i32_1 = arith.constant 0 : i32
    return %c0_i32, %c0_i32_0 : i32, i32
  }
  func.func @transform_11(%arg0: i32) -> (i32, i32) {
    %c0_i32 = arith.constant 0 : i32
    %c0_i32_0 = arith.constant 0 : i32
    return %arg0, %c0_i32 : i32, i32
  }
  func.func @transform_12(%arg0: i32) -> (i32, i32) {
    %c0_i32 = arith.constant 0 : i32
    %c0_i32_0 = arith.constant 0 : i32
    return %arg0, %c0_i32 : i32, i32
  }
  func.func @transform_13(%arg0: i32) -> (i32, i32) {
    %c0_i32 = arith.constant 0 : i32
    %c0_i32_0 = arith.constant 0 : i32
    return %arg0, %c0_i32 : i32, i32
  }
}

module attributes {stable_mosaic.version = 14 : i64} {
  func.func @_head_body(%arg0: i32, %arg1: memref<130x130x192xf32, #tpu.memory_space<vmem>>, %arg2: memref<1728x192xf32, #tpu.memory_space<vmem>>, %arg3: memref<1x192xf32, #tpu.memory_space<vmem>>, %arg4: memref<192x36xf32, #tpu.memory_space<vmem>>, %arg5: memref<1x36xf32, #tpu.memory_space<vmem>>, %arg6: memref<192x18xf32, #tpu.memory_space<vmem>>, %arg7: memref<1x18xf32, #tpu.memory_space<vmem>>, %arg8: memref<192x9xf32, #tpu.memory_space<vmem>>, %arg9: memref<1x9xf32, #tpu.memory_space<vmem>>, %arg10: memref<192x9xf32, #tpu.memory_space<vmem>>, %arg11: memref<1x9xf32, #tpu.memory_space<vmem>>, %arg12: memref<1024x36xf32, #tpu.memory_space<vmem>>, %arg13: memref<1024x18xf32, #tpu.memory_space<vmem>>, %arg14: memref<1024x9xf32, #tpu.memory_space<vmem>>) attributes {dimension_semantics = [#tpu.dimension_semantics<arbitrary>], iteration_bounds = array<i64: 16>, scalar_prefetch = 0 : i64, scratch_operands = 0 : i64, tpu.core_type = #tpu.core_type<tc>, window_params = [{pipeline_mode = #tpu.pipeline_mode<synchronous>, transform_indices = @transform_0, window_bounds = array<i64: 130, 130, 192>}, {pipeline_mode = #tpu.pipeline_mode<synchronous>, transform_indices = @transform_1, window_bounds = array<i64: 1728, 192>}, {pipeline_mode = #tpu.pipeline_mode<synchronous>, transform_indices = @transform_2, window_bounds = array<i64: 1, 192>}, {pipeline_mode = #tpu.pipeline_mode<synchronous>, transform_indices = @transform_3, window_bounds = array<i64: 192, 36>}, {pipeline_mode = #tpu.pipeline_mode<synchronous>, transform_indices = @transform_4, window_bounds = array<i64: 1, 36>}, {pipeline_mode = #tpu.pipeline_mode<synchronous>, transform_indices = @transform_5, window_bounds = array<i64: 192, 18>}, {pipeline_mode = #tpu.pipeline_mode<synchronous>, transform_indices = @transform_6, window_bounds = array<i64: 1, 18>}, {pipeline_mode = #tpu.pipeline_mode<synchronous>, transform_indices = @transform_7, window_bounds = array<i64: 192, 9>}, {pipeline_mode = #tpu.pipeline_mode<synchronous>, transform_indices = @transform_8, window_bounds = array<i64: 1, 9>}, {pipeline_mode = #tpu.pipeline_mode<synchronous>, transform_indices = @transform_9, window_bounds = array<i64: 192, 9>}, {pipeline_mode = #tpu.pipeline_mode<synchronous>, transform_indices = @transform_10, window_bounds = array<i64: 1, 9>}, {transform_indices = @transform_11, window_bounds = array<i64: 1024, 36>}, {transform_indices = @transform_12, window_bounds = array<i64: 1024, 18>}, {transform_indices = @transform_13, window_bounds = array<i64: 1024, 9>}]} {
    %mul3A = arith.constant 8 : i32
    %mul3A_0 = arith.muli %arg0, %mul3A : i32
    %add3A = arith.constant 0 : i32
    %add3A_1 = arith.addi %mul3A_0, %add3A : i32
    %get3A = arith.index_cast %add3A_1 : i32 to index
    %get3A_2 = arith.constant 0 : index
    %get3A_3 = arith.constant 0 : index
    %get3A_4 = vector.load %arg1[%get3A, %get3A_2, %get3A_3] : memref<130x130x192xf32, #tpu.memory_space<vmem>>, vector<8x128x192xf32>
    %reshape3A = vector.shape_cast %get3A_4 : vector<8x128x192xf32> to vector<1024x192xf32>
    %get3A_5 = arith.constant 0 : index
    %get3A_6 = arith.constant 0 : index
    %get3A_7 = vector.load %arg2[%get3A_5, %get3A_6] : memref<1728x192xf32, #tpu.memory_space<vmem>>, vector<192x192xf32>
    %dot_general3A = arith.constant dense<0.000000e+00> : vector<1024x192xf32>
    %dot_general3A_8 = tpu.matmul %reshape3A, %get3A_7, %dot_general3A {dimension_numbers = #tpu.dot_dimension_numbers<[1], [0], [0], [1], [0, 0, 1, 1], [], []>, transpose_lhs_hint = false} : vector<1024x192xf32>, vector<192x192xf32>, vector<1024x192xf32> -> vector<1024x192xf32>
    %add3A_9 = arith.constant 0 : i32
    %add3A_10 = arith.addi %mul3A_0, %add3A_9 : i32
    %get3A_11 = arith.index_cast %add3A_10 : i32 to index
    %get3A_12 = arith.constant 1 : index
    %get3A_13 = arith.constant 0 : index
    %get3A_14 = vector.load %arg1[%get3A_11, %get3A_12, %get3A_13] : memref<130x130x192xf32, #tpu.memory_space<vmem>>, vector<8x128x192xf32>
    %reshape3A_15 = vector.shape_cast %get3A_14 : vector<8x128x192xf32> to vector<1024x192xf32>
    %get3A_16 = arith.constant 192 : index
    %get3A_17 = arith.constant 0 : index
    %get3A_18 = vector.load %arg2[%get3A_16, %get3A_17] : memref<1728x192xf32, #tpu.memory_space<vmem>>, vector<192x192xf32>
    %dot_general3A_19 = arith.constant dense<0.000000e+00> : vector<1024x192xf32>
    %dot_general3A_20 = tpu.matmul %reshape3A_15, %get3A_18, %dot_general3A_19 {dimension_numbers = #tpu.dot_dimension_numbers<[1], [0], [0], [1], [0, 0, 1, 1], [], []>, transpose_lhs_hint = false} : vector<1024x192xf32>, vector<192x192xf32>, vector<1024x192xf32> -> vector<1024x192xf32>
    %add3A_21 = arith.addf %dot_general3A_8, %dot_general3A_20 : vector<1024x192xf32>
    %add3A_22 = arith.constant 0 : i32
    %add3A_23 = arith.addi %mul3A_0, %add3A_22 : i32
    %get3A_24 = arith.index_cast %add3A_23 : i32 to index
    %get3A_25 = arith.constant 2 : index
    %get3A_26 = arith.constant 0 : index
    %get3A_27 = vector.load %arg1[%get3A_24, %get3A_25, %get3A_26] : memref<130x130x192xf32, #tpu.memory_space<vmem>>, vector<8x128x192xf32>
    %reshape3A_28 = vector.shape_cast %get3A_27 : vector<8x128x192xf32> to vector<1024x192xf32>
    %get3A_29 = arith.constant 384 : index
    %get3A_30 = arith.constant 0 : index
    %get3A_31 = vector.load %arg2[%get3A_29, %get3A_30] : memref<1728x192xf32, #tpu.memory_space<vmem>>, vector<192x192xf32>
    %dot_general3A_32 = arith.constant dense<0.000000e+00> : vector<1024x192xf32>
    %dot_general3A_33 = tpu.matmul %reshape3A_28, %get3A_31, %dot_general3A_32 {dimension_numbers = #tpu.dot_dimension_numbers<[1], [0], [0], [1], [0, 0, 1, 1], [], []>, transpose_lhs_hint = false} : vector<1024x192xf32>, vector<192x192xf32>, vector<1024x192xf32> -> vector<1024x192xf32>
    %add3A_34 = arith.addf %add3A_21, %dot_general3A_33 : vector<1024x192xf32>
    %add3A_35 = arith.constant 1 : i32
    %add3A_36 = arith.addi %mul3A_0, %add3A_35 : i32
    %get3A_37 = arith.index_cast %add3A_36 : i32 to index
    %get3A_38 = arith.constant 0 : index
    %get3A_39 = arith.constant 0 : index
    %get3A_40 = vector.load %arg1[%get3A_37, %get3A_38, %get3A_39] : memref<130x130x192xf32, #tpu.memory_space<vmem>>, vector<8x128x192xf32>
    %reshape3A_41 = vector.shape_cast %get3A_40 : vector<8x128x192xf32> to vector<1024x192xf32>
    %get3A_42 = arith.constant 576 : index
    %get3A_43 = arith.constant 0 : index
    %get3A_44 = vector.load %arg2[%get3A_42, %get3A_43] : memref<1728x192xf32, #tpu.memory_space<vmem>>, vector<192x192xf32>
    %dot_general3A_45 = arith.constant dense<0.000000e+00> : vector<1024x192xf32>
    %dot_general3A_46 = tpu.matmul %reshape3A_41, %get3A_44, %dot_general3A_45 {dimension_numbers = #tpu.dot_dimension_numbers<[1], [0], [0], [1], [0, 0, 1, 1], [], []>, transpose_lhs_hint = false} : vector<1024x192xf32>, vector<192x192xf32>, vector<1024x192xf32> -> vector<1024x192xf32>
    %add3A_47 = arith.addf %add3A_34, %dot_general3A_46 : vector<1024x192xf32>
    %add3A_48 = arith.constant 1 : i32
    %add3A_49 = arith.addi %mul3A_0, %add3A_48 : i32
    %get3A_50 = arith.index_cast %add3A_49 : i32 to index
    %get3A_51 = arith.constant 1 : index
    %get3A_52 = arith.constant 0 : index
    %get3A_53 = vector.load %arg1[%get3A_50, %get3A_51, %get3A_52] : memref<130x130x192xf32, #tpu.memory_space<vmem>>, vector<8x128x192xf32>
    %reshape3A_54 = vector.shape_cast %get3A_53 : vector<8x128x192xf32> to vector<1024x192xf32>
    %get3A_55 = arith.constant 768 : index
    %get3A_56 = arith.constant 0 : index
    %get3A_57 = vector.load %arg2[%get3A_55, %get3A_56] : memref<1728x192xf32, #tpu.memory_space<vmem>>, vector<192x192xf32>
    %dot_general3A_58 = arith.constant dense<0.000000e+00> : vector<1024x192xf32>
    %dot_general3A_59 = tpu.matmul %reshape3A_54, %get3A_57, %dot_general3A_58 {dimension_numbers = #tpu.dot_dimension_numbers<[1], [0], [0], [1], [0, 0, 1, 1], [], []>, transpose_lhs_hint = false} : vector<1024x192xf32>, vector<192x192xf32>, vector<1024x192xf32> -> vector<1024x192xf32>
    %add3A_60 = arith.addf %add3A_47, %dot_general3A_59 : vector<1024x192xf32>
    %add3A_61 = arith.constant 1 : i32
    %add3A_62 = arith.addi %mul3A_0, %add3A_61 : i32
    %get3A_63 = arith.index_cast %add3A_62 : i32 to index
    %get3A_64 = arith.constant 2 : index
    %get3A_65 = arith.constant 0 : index
    %get3A_66 = vector.load %arg1[%get3A_63, %get3A_64, %get3A_65] : memref<130x130x192xf32, #tpu.memory_space<vmem>>, vector<8x128x192xf32>
    %reshape3A_67 = vector.shape_cast %get3A_66 : vector<8x128x192xf32> to vector<1024x192xf32>
    %get3A_68 = arith.constant 960 : index
    %get3A_69 = arith.constant 0 : index
    %get3A_70 = vector.load %arg2[%get3A_68, %get3A_69] : memref<1728x192xf32, #tpu.memory_space<vmem>>, vector<192x192xf32>
    %dot_general3A_71 = arith.constant dense<0.000000e+00> : vector<1024x192xf32>
    %dot_general3A_72 = tpu.matmul %reshape3A_67, %get3A_70, %dot_general3A_71 {dimension_numbers = #tpu.dot_dimension_numbers<[1], [0], [0], [1], [0, 0, 1, 1], [], []>, transpose_lhs_hint = false} : vector<1024x192xf32>, vector<192x192xf32>, vector<1024x192xf32> -> vector<1024x192xf32>
    %add3A_73 = arith.addf %add3A_60, %dot_general3A_72 : vector<1024x192xf32>
    %add3A_74 = arith.constant 2 : i32
    %add3A_75 = arith.addi %mul3A_0, %add3A_74 : i32
    %get3A_76 = arith.index_cast %add3A_75 : i32 to index
    %get3A_77 = arith.constant 0 : index
    %get3A_78 = arith.constant 0 : index
    %get3A_79 = vector.load %arg1[%get3A_76, %get3A_77, %get3A_78] : memref<130x130x192xf32, #tpu.memory_space<vmem>>, vector<8x128x192xf32>
    %reshape3A_80 = vector.shape_cast %get3A_79 : vector<8x128x192xf32> to vector<1024x192xf32>
    %get3A_81 = arith.constant 1152 : index
    %get3A_82 = arith.constant 0 : index
    %get3A_83 = vector.load %arg2[%get3A_81, %get3A_82] : memref<1728x192xf32, #tpu.memory_space<vmem>>, vector<192x192xf32>
    %dot_general3A_84 = arith.constant dense<0.000000e+00> : vector<1024x192xf32>
    %dot_general3A_85 = tpu.matmul %reshape3A_80, %get3A_83, %dot_general3A_84 {dimension_numbers = #tpu.dot_dimension_numbers<[1], [0], [0], [1], [0, 0, 1, 1], [], []>, transpose_lhs_hint = false} : vector<1024x192xf32>, vector<192x192xf32>, vector<1024x192xf32> -> vector<1024x192xf32>
    %add3A_86 = arith.addf %add3A_73, %dot_general3A_85 : vector<1024x192xf32>
    %add3A_87 = arith.constant 2 : i32
    %add3A_88 = arith.addi %mul3A_0, %add3A_87 : i32
    %get3A_89 = arith.index_cast %add3A_88 : i32 to index
    %get3A_90 = arith.constant 1 : index
    %get3A_91 = arith.constant 0 : index
    %get3A_92 = vector.load %arg1[%get3A_89, %get3A_90, %get3A_91] : memref<130x130x192xf32, #tpu.memory_space<vmem>>, vector<8x128x192xf32>
    %reshape3A_93 = vector.shape_cast %get3A_92 : vector<8x128x192xf32> to vector<1024x192xf32>
    %get3A_94 = arith.constant 1344 : index
    %get3A_95 = arith.constant 0 : index
    %get3A_96 = vector.load %arg2[%get3A_94, %get3A_95] : memref<1728x192xf32, #tpu.memory_space<vmem>>, vector<192x192xf32>
    %dot_general3A_97 = arith.constant dense<0.000000e+00> : vector<1024x192xf32>
    %dot_general3A_98 = tpu.matmul %reshape3A_93, %get3A_96, %dot_general3A_97 {dimension_numbers = #tpu.dot_dimension_numbers<[1], [0], [0], [1], [0, 0, 1, 1], [], []>, transpose_lhs_hint = false} : vector<1024x192xf32>, vector<192x192xf32>, vector<1024x192xf32> -> vector<1024x192xf32>
    %add3A_99 = arith.addf %add3A_86, %dot_general3A_98 : vector<1024x192xf32>
    %add3A_100 = arith.constant 2 : i32
    %add3A_101 = arith.addi %mul3A_0, %add3A_100 : i32
    %get3A_102 = arith.index_cast %add3A_101 : i32 to index
    %get3A_103 = arith.constant 2 : index
    %get3A_104 = arith.constant 0 : index
    %get3A_105 = vector.load %arg1[%get3A_102, %get3A_103, %get3A_104] : memref<130x130x192xf32, #tpu.memory_space<vmem>>, vector<8x128x192xf32>
    %reshape3A_106 = vector.shape_cast %get3A_105 : vector<8x128x192xf32> to vector<1024x192xf32>
    %get3A_107 = arith.constant 1536 : index
    %get3A_108 = arith.constant 0 : index
    %get3A_109 = vector.load %arg2[%get3A_107, %get3A_108] : memref<1728x192xf32, #tpu.memory_space<vmem>>, vector<192x192xf32>
    %dot_general3A_110 = arith.constant dense<0.000000e+00> : vector<1024x192xf32>
    %dot_general3A_111 = tpu.matmul %reshape3A_106, %get3A_109, %dot_general3A_110 {dimension_numbers = #tpu.dot_dimension_numbers<[1], [0], [0], [1], [0, 0, 1, 1], [], []>, transpose_lhs_hint = false} : vector<1024x192xf32>, vector<192x192xf32>, vector<1024x192xf32> -> vector<1024x192xf32>
    %add3A_112 = arith.addf %add3A_99, %dot_general3A_111 : vector<1024x192xf32>
    %get3A_113 = arith.constant 0 : index
    %get3A_114 = arith.constant 0 : index
    %get3A_115 = vector.load %arg3[%get3A_113, %get3A_114] : memref<1x192xf32, #tpu.memory_space<vmem>>, vector<1x192xf32>
    %add3A_116 = vector.broadcast %get3A_115 : vector<1x192xf32> to vector<1024x192xf32>
    %add3A_117 = arith.addf %add3A_112, %add3A_116 : vector<1024x192xf32>
    %max3A = arith.constant 0.000000e+00 : f32
    %max3A_118 = vector.broadcast %max3A : f32 to vector<1024x192xf32>
    %max3A_119 = arith.maximumf %add3A_117, %max3A_118 : vector<1024x192xf32>
    %get3A_120 = arith.constant 0 : index
    %get3A_121 = arith.constant 0 : index
    %get3A_122 = vector.load %arg4[%get3A_120, %get3A_121] : memref<192x36xf32, #tpu.memory_space<vmem>>, vector<192x36xf32>
    %dot_general3A_123 = arith.constant dense<0.000000e+00> : vector<1024x36xf32>
    %dot_general3A_124 = tpu.matmul %max3A_119, %get3A_122, %dot_general3A_123 {dimension_numbers = #tpu.dot_dimension_numbers<[1], [0], [0], [1], [0, 0, 1, 1], [], []>, transpose_lhs_hint = false} : vector<1024x192xf32>, vector<192x36xf32>, vector<1024x36xf32> -> vector<1024x36xf32>
    %get3A_125 = arith.constant 0 : index
    %get3A_126 = arith.constant 0 : index
    %get3A_127 = vector.load %arg5[%get3A_125, %get3A_126] : memref<1x36xf32, #tpu.memory_space<vmem>>, vector<1x36xf32>
    %add3A_128 = vector.broadcast %get3A_127 : vector<1x36xf32> to vector<1024x36xf32>
    %add3A_129 = arith.addf %dot_general3A_124, %add3A_128 : vector<1024x36xf32>
    %swap3A = arith.constant 0 : index
    %swap3A_130 = arith.constant 0 : index
    %swap3A_131 = vector.load %arg12[%swap3A, %swap3A_130] : memref<1024x36xf32, #tpu.memory_space<vmem>>, vector<1024x36xf32>
    tpu.vector_store %arg12[%swap3A, %swap3A_130], %add3A_129 {strides = array<i32>} : memref<1024x36xf32, #tpu.memory_space<vmem>>, vector<1024x36xf32>,
    %get3A_132 = arith.constant 0 : index
    %get3A_133 = arith.constant 0 : index
    %get3A_134 = vector.load %arg6[%get3A_132, %get3A_133] : memref<192x18xf32, #tpu.memory_space<vmem>>, vector<192x18xf32>
    %dot_general3A_135 = arith.constant dense<0.000000e+00> : vector<1024x18xf32>
    %dot_general3A_136 = tpu.matmul %max3A_119, %get3A_134, %dot_general3A_135 {dimension_numbers = #tpu.dot_dimension_numbers<[1], [0], [0], [1], [0, 0, 1, 1], [], []>, transpose_lhs_hint = false} : vector<1024x192xf32>, vector<192x18xf32>, vector<1024x18xf32> -> vector<1024x18xf32>
    %get3A_137 = arith.constant 0 : index
    %get3A_138 = arith.constant 0 : index
    %get3A_139 = vector.load %arg7[%get3A_137, %get3A_138] : memref<1x18xf32, #tpu.memory_space<vmem>>, vector<1x18xf32>
    %add3A_140 = vector.broadcast %get3A_139 : vector<1x18xf32> to vector<1024x18xf32>
    %add3A_141 = arith.addf %dot_general3A_136, %add3A_140 : vector<1024x18xf32>
    %swap3A_142 = arith.constant 0 : index
    %swap3A_143 = arith.constant 0 : index
    %swap3A_144 = vector.load %arg13[%swap3A_142, %swap3A_143] : memref<1024x18xf32, #tpu.memory_space<vmem>>, vector<1024x18xf32>
    tpu.vector_store %arg13[%swap3A_142, %swap3A_143], %add3A_141 {strides = array<i32>} : memref<1024x18xf32, #tpu.memory_space<vmem>>, vector<1024x18xf32>,
    %get3A_145 = arith.constant 0 : index
    %get3A_146 = arith.constant 0 : index
    %get3A_147 = vector.load %arg8[%get3A_145, %get3A_146] : memref<192x9xf32, #tpu.memory_space<vmem>>, vector<192x9xf32>
    %dot_general3A_148 = arith.constant dense<0.000000e+00> : vector<1024x9xf32>
    %dot_general3A_149 = tpu.matmul %max3A_119, %get3A_147, %dot_general3A_148 {dimension_numbers = #tpu.dot_dimension_numbers<[1], [0], [0], [1], [0, 0, 1, 1], [], []>, transpose_lhs_hint = false} : vector<1024x192xf32>, vector<192x9xf32>, vector<1024x9xf32> -> vector<1024x9xf32>
    %get3A_150 = arith.constant 0 : index
    %get3A_151 = arith.constant 0 : index
    %get3A_152 = vector.load %arg9[%get3A_150, %get3A_151] : memref<1x9xf32, #tpu.memory_space<vmem>>, vector<1x9xf32>
    %add3A_153 = vector.broadcast %get3A_152 : vector<1x9xf32> to vector<1024x9xf32>
    %add3A_154 = arith.addf %dot_general3A_149, %add3A_153 : vector<1024x9xf32>
    %get3A_155 = arith.constant 0 : index
    %get3A_156 = arith.constant 0 : index
    %get3A_157 = vector.load %arg10[%get3A_155, %get3A_156] : memref<192x9xf32, #tpu.memory_space<vmem>>, vector<192x9xf32>
    %dot_general3A_158 = arith.constant dense<0.000000e+00> : vector<1024x9xf32>
    %dot_general3A_159 = tpu.matmul %max3A_119, %get3A_157, %dot_general3A_158 {dimension_numbers = #tpu.dot_dimension_numbers<[1], [0], [0], [1], [0, 0, 1, 1], [], []>, transpose_lhs_hint = false} : vector<1024x192xf32>, vector<192x9xf32>, vector<1024x9xf32> -> vector<1024x9xf32>
    %get3A_160 = arith.constant 0 : index
    %get3A_161 = arith.constant 0 : index
    %get3A_162 = vector.load %arg11[%get3A_160, %get3A_161] : memref<1x9xf32, #tpu.memory_space<vmem>>, vector<1x9xf32>
    %add3A_163 = vector.broadcast %get3A_162 : vector<1x9xf32> to vector<1024x9xf32>
    %add3A_164 = arith.addf %dot_general3A_159, %add3A_163 : vector<1024x9xf32>
    %max3A_165 = arith.maximumf %add3A_154, %add3A_164 : vector<1024x9xf32>
    %sub3A = arith.subf %add3A_154, %max3A_165 : vector<1024x9xf32>
    %exp3A = math.exp %sub3A : vector<1024x9xf32>
    %sub3A_166 = arith.subf %add3A_164, %max3A_165 : vector<1024x9xf32>
    %exp3A_167 = math.exp %sub3A_166 : vector<1024x9xf32>
    %add3A_168 = arith.addf %exp3A, %exp3A_167 : vector<1024x9xf32>
    %div3A = arith.divf %exp3A_167, %add3A_168 : vector<1024x9xf32>
    %swap3A_169 = arith.constant 0 : index
    %swap3A_170 = arith.constant 0 : index
    %swap3A_171 = vector.load %arg14[%swap3A_169, %swap3A_170] : memref<1024x9xf32, #tpu.memory_space<vmem>>, vector<1024x9xf32>
    tpu.vector_store %arg14[%swap3A_169, %swap3A_170], %div3A {strides = array<i32>} : memref<1024x9xf32, #tpu.memory_space<vmem>>, vector<1024x9xf32>,
    return
  }
  func.func @transform_0(%arg0: i32) -> (i32, i32, i32) {
    %c0_i32 = arith.constant 0 : i32
    %c0_i32_0 = arith.constant 0 : i32
    %c0_i32_1 = arith.constant 0 : i32
    %c0_i32_2 = arith.constant 0 : i32
    return %c0_i32, %c0_i32_0, %c0_i32_1 : i32, i32, i32
  }
  func.func @transform_1(%arg0: i32) -> (i32, i32) {
    %c0_i32 = arith.constant 0 : i32
    %c0_i32_0 = arith.constant 0 : i32
    %c0_i32_1 = arith.constant 0 : i32
    return %c0_i32, %c0_i32_0 : i32, i32
  }
  func.func @transform_2(%arg0: i32) -> (i32, i32) {
    %c0_i32 = arith.constant 0 : i32
    %c0_i32_0 = arith.constant 0 : i32
    %c0_i32_1 = arith.constant 0 : i32
    return %c0_i32, %c0_i32_0 : i32, i32
  }
  func.func @transform_3(%arg0: i32) -> (i32, i32) {
    %c0_i32 = arith.constant 0 : i32
    %c0_i32_0 = arith.constant 0 : i32
    %c0_i32_1 = arith.constant 0 : i32
    return %c0_i32, %c0_i32_0 : i32, i32
  }
  func.func @transform_4(%arg0: i32) -> (i32, i32) {
    %c0_i32 = arith.constant 0 : i32
    %c0_i32_0 = arith.constant 0 : i32
    %c0_i32_1 = arith.constant 0 : i32
    return %c0_i32, %c0_i32_0 : i32, i32
  }
  func.func @transform_5(%arg0: i32) -> (i32, i32) {
    %c0_i32 = arith.constant 0 : i32
    %c0_i32_0 = arith.constant 0 : i32
    %c0_i32_1 = arith.constant 0 : i32
    return %c0_i32, %c0_i32_0 : i32, i32
  }
  func.func @transform_6(%arg0: i32) -> (i32, i32) {
    %c0_i32 = arith.constant 0 : i32
    %c0_i32_0 = arith.constant 0 : i32
    %c0_i32_1 = arith.constant 0 : i32
    return %c0_i32, %c0_i32_0 : i32, i32
  }
  func.func @transform_7(%arg0: i32) -> (i32, i32) {
    %c0_i32 = arith.constant 0 : i32
    %c0_i32_0 = arith.constant 0 : i32
    %c0_i32_1 = arith.constant 0 : i32
    return %c0_i32, %c0_i32_0 : i32, i32
  }
  func.func @transform_8(%arg0: i32) -> (i32, i32) {
    %c0_i32 = arith.constant 0 : i32
    %c0_i32_0 = arith.constant 0 : i32
    %c0_i32_1 = arith.constant 0 : i32
    return %c0_i32, %c0_i32_0 : i32, i32
  }
  func.func @transform_9(%arg0: i32) -> (i32, i32) {
    %c0_i32 = arith.constant 0 : i32
    %c0_i32_0 = arith.constant 0 : i32
    %c0_i32_1 = arith.constant 0 : i32
    return %c0_i32, %c0_i32_0 : i32, i32
  }
  func.func @transform_10(%arg0: i32) -> (i32, i32) {
    %c0_i32 = arith.constant 0 : i32
    %c0_i32_0 = arith.constant 0 : i32
    %c0_i32_1 = arith.constant 0 : i32
    return %c0_i32, %c0_i32_0 : i32, i32
  }
  func.func @transform_11(%arg0: i32) -> (i32, i32) {
    %c0_i32 = arith.constant 0 : i32
    %c0_i32_0 = arith.constant 0 : i32
    return %arg0, %c0_i32 : i32, i32
  }
  func.func @transform_12(%arg0: i32) -> (i32, i32) {
    %c0_i32 = arith.constant 0 : i32
    %c0_i32_0 = arith.constant 0 : i32
    return %arg0, %c0_i32 : i32, i32
  }
  func.func @transform_13(%arg0: i32) -> (i32, i32) {
    %c0_i32 = arith.constant 0 : i32
    %c0_i32_0 = arith.constant 0 : i32
    return %arg0, %c0_i32 : i32, i32
  }
}

module attributes {stable_mosaic.version = 14 : i64} {
  func.func @_decode_body(%arg0: memref<4x1536x128xf32, #tpu.memory_space<vmem>>, %arg1: memref<4x1536x128xf32, #tpu.memory_space<vmem>>, %arg2: memref<1536x128xf32, #tpu.memory_space<vmem>>, %arg3: memref<1x4xf32, #tpu.memory_space<smem>>, %arg4: memref<4x1536x128xf32, #tpu.memory_space<vmem>>, %arg5: memref<1536x128xf32, #tpu.memory_space<vmem>>) attributes {dimension_semantics = [], scalar_prefetch = 0 : i64, scratch_operands = 0 : i64, tpu.core_type = #tpu.core_type<tc>} {
    %get3A = arith.constant 0 : index
    %get3A_0 = arith.constant 0 : index
    %get3A_1 = memref.load %arg3[%get3A, %get3A_0] : memref<1x4xf32, #tpu.memory_space<smem>>
    %get3A_2 = arith.constant 0 : index
    %get3A_3 = arith.constant 1 : index
    %get3A_4 = memref.load %arg3[%get3A_2, %get3A_3] : memref<1x4xf32, #tpu.memory_space<smem>>
    %get3A_5 = arith.constant 0 : index
    %get3A_6 = arith.constant 2 : index
    %get3A_7 = memref.load %arg3[%get3A_5, %get3A_6] : memref<1x4xf32, #tpu.memory_space<smem>>
    %get3A_8 = arith.constant 0 : index
    %get3A_9 = arith.constant 0 : index
    %get3A_10 = arith.constant 0 : index
    %get3A_11 = vector.load %arg1[%get3A_8, %get3A_9, %get3A_10] : memref<4x1536x128xf32, #tpu.memory_space<vmem>>, vector<1x1536x128xf32>
    %get3A_12 = vector.shape_cast %get3A_11 : vector<1x1536x128xf32> to vector<1536x128xf32>
    %get3A_13 = arith.constant 1 : index
    %get3A_14 = arith.constant 0 : index
    %get3A_15 = arith.constant 0 : index
    %get3A_16 = vector.load %arg1[%get3A_13, %get3A_14, %get3A_15] : memref<4x1536x128xf32, #tpu.memory_space<vmem>>, vector<1x1536x128xf32>
    %get3A_17 = vector.shape_cast %get3A_16 : vector<1x1536x128xf32> to vector<1536x128xf32>
    %get3A_18 = arith.constant 2 : index
    %get3A_19 = arith.constant 0 : index
    %get3A_20 = arith.constant 0 : index
    %get3A_21 = vector.load %arg1[%get3A_18, %get3A_19, %get3A_20] : memref<4x1536x128xf32, #tpu.memory_space<vmem>>, vector<1x1536x128xf32>
    %get3A_22 = vector.shape_cast %get3A_21 : vector<1x1536x128xf32> to vector<1536x128xf32>
    %get3A_23 = arith.constant 3 : index
    %get3A_24 = arith.constant 0 : index
    %get3A_25 = arith.constant 0 : index
    %get3A_26 = vector.load %arg1[%get3A_23, %get3A_24, %get3A_25] : memref<4x1536x128xf32, #tpu.memory_space<vmem>>, vector<1x1536x128xf32>
    %get3A_27 = vector.shape_cast %get3A_26 : vector<1x1536x128xf32> to vector<1536x128xf32>
    %get3A_28 = arith.constant 0 : index
    %get3A_29 = arith.constant 0 : index
    %get3A_30 = arith.constant 0 : index
    %get3A_31 = vector.load %arg0[%get3A_28, %get3A_29, %get3A_30] : memref<4x1536x128xf32, #tpu.memory_space<vmem>>, vector<1x1536x128xf32>
    %get3A_32 = vector.shape_cast %get3A_31 : vector<1x1536x128xf32> to vector<1536x128xf32>
    %get3A_33 = arith.constant 1 : index
    %get3A_34 = arith.constant 0 : index
    %get3A_35 = arith.constant 0 : index
    %get3A_36 = vector.load %arg0[%get3A_33, %get3A_34, %get3A_35] : memref<4x1536x128xf32, #tpu.memory_space<vmem>>, vector<1x1536x128xf32>
    %get3A_37 = vector.shape_cast %get3A_36 : vector<1x1536x128xf32> to vector<1536x128xf32>
    %get3A_38 = arith.constant 2 : index
    %get3A_39 = arith.constant 0 : index
    %get3A_40 = arith.constant 0 : index
    %get3A_41 = vector.load %arg0[%get3A_38, %get3A_39, %get3A_40] : memref<4x1536x128xf32, #tpu.memory_space<vmem>>, vector<1x1536x128xf32>
    %get3A_42 = vector.shape_cast %get3A_41 : vector<1x1536x128xf32> to vector<1536x128xf32>
    %get3A_43 = arith.constant 3 : index
    %get3A_44 = arith.constant 0 : index
    %get3A_45 = arith.constant 0 : index
    %get3A_46 = vector.load %arg0[%get3A_43, %get3A_44, %get3A_45] : memref<4x1536x128xf32, #tpu.memory_space<vmem>>, vector<1x1536x128xf32>
    %get3A_47 = vector.shape_cast %get3A_46 : vector<1x1536x128xf32> to vector<1536x128xf32>
    %sub3A = arith.subf %get3A_22, %get3A_12 : vector<1536x128xf32>
    %sub3A_48 = arith.subf %get3A_27, %get3A_17 : vector<1536x128xf32>
    %mul3A = arith.constant 5.000000e-01 : f32
    %mul3A_49 = vector.broadcast %mul3A : f32 to vector<1536x128xf32>
    %mul3A_50 = arith.mulf %mul3A_49, %sub3A : vector<1536x128xf32>
    %add3A = arith.addf %get3A_12, %mul3A_50 : vector<1536x128xf32>
    %mul3A_51 = arith.constant 5.000000e-01 : f32
    %mul3A_52 = vector.broadcast %mul3A_51 : f32 to vector<1536x128xf32>
    %mul3A_53 = arith.mulf %mul3A_52, %sub3A_48 : vector<1536x128xf32>
    %add3A_54 = arith.addf %get3A_17, %mul3A_53 : vector<1536x128xf32>
    %mul3A_55 = arith.mulf %get3A_32, %sub3A : vector<1536x128xf32>
    %add3A_56 = arith.addf %mul3A_55, %add3A : vector<1536x128xf32>
    %mul3A_57 = arith.mulf %get3A_37, %sub3A_48 : vector<1536x128xf32>
    %add3A_58 = arith.addf %mul3A_57, %add3A_54 : vector<1536x128xf32>
    %exp3A = math.exp %get3A_42 : vector<1536x128xf32>
    %mul3A_59 = arith.mulf %exp3A, %sub3A : vector<1536x128xf32>
    %exp3A_60 = math.exp %get3A_47 : vector<1536x128xf32>
    %mul3A_61 = arith.mulf %exp3A_60, %sub3A_48 : vector<1536x128xf32>
    %mul3A_62 = arith.constant 5.000000e-01 : f32
    %mul3A_63 = vector.broadcast %mul3A_62 : f32 to vector<1536x128xf32>
    %mul3A_64 = arith.mulf %mul3A_63, %mul3A_59 : vector<1536x128xf32>
    %sub3A_65 = arith.subf %add3A_56, %mul3A_64 : vector<1536x128xf32>
    %jit3A = arith.constant 0.000000e+00 : f32
    %max3A = vector.broadcast %jit3A : f32 to vector<1536x128xf32>
    %max3A_66 = arith.maximumf %max3A, %sub3A_65 : vector<1536x128xf32>
    %min3A = vector.broadcast %get3A_4 : f32 to vector<1536x128xf32>
    %min3A_67 = arith.minimumf %min3A, %max3A_66 : vector<1536x128xf32>
    %mul3A_68 = arith.constant 5.000000e-01 : f32
    %mul3A_69 = vector.broadcast %mul3A_68 : f32 to vector<1536x128xf32>
    %mul3A_70 = arith.mulf %mul3A_69, %mul3A_61 : vector<1536x128xf32>
    %sub3A_71 = arith.subf %add3A_58, %mul3A_70 : vector<1536x128xf32>
    %jit3A_72 = arith.constant 0.000000e+00 : f32
    %max3A_73 = vector.broadcast %jit3A_72 : f32 to vector<1536x128xf32>
    %max3A_74 = arith.maximumf %max3A_73, %sub3A_71 : vector<1536x128xf32>
    %min3A_75 = vector.broadcast %get3A_7 : f32 to vector<1536x128xf32>
    %min3A_76 = arith.minimumf %min3A_75, %max3A_74 : vector<1536x128xf32>
    %mul3A_77 = arith.constant 5.000000e-01 : f32
    %mul3A_78 = vector.broadcast %mul3A_77 : f32 to vector<1536x128xf32>
    %mul3A_79 = arith.mulf %mul3A_78, %mul3A_59 : vector<1536x128xf32>
    %add3A_80 = arith.addf %add3A_56, %mul3A_79 : vector<1536x128xf32>
    %jit3A_81 = arith.constant 0.000000e+00 : f32
    %max3A_82 = vector.broadcast %jit3A_81 : f32 to vector<1536x128xf32>
    %max3A_83 = arith.maximumf %max3A_82, %add3A_80 : vector<1536x128xf32>
    %min3A_84 = vector.broadcast %get3A_4 : f32 to vector<1536x128xf32>
    %min3A_85 = arith.minimumf %min3A_84, %max3A_83 : vector<1536x128xf32>
    %mul3A_86 = arith.constant 5.000000e-01 : f32
    %mul3A_87 = vector.broadcast %mul3A_86 : f32 to vector<1536x128xf32>
    %mul3A_88 = arith.mulf %mul3A_87, %mul3A_61 : vector<1536x128xf32>
    %add3A_89 = arith.addf %add3A_58, %mul3A_88 : vector<1536x128xf32>
    %jit3A_90 = arith.constant 0.000000e+00 : f32
    %max3A_91 = vector.broadcast %jit3A_90 : f32 to vector<1536x128xf32>
    %max3A_92 = arith.maximumf %max3A_91, %add3A_89 : vector<1536x128xf32>
    %min3A_93 = vector.broadcast %get3A_7 : f32 to vector<1536x128xf32>
    %min3A_94 = arith.minimumf %min3A_93, %max3A_92 : vector<1536x128xf32>
    %swap3A = arith.constant 0 : index
    %swap3A_95 = arith.constant 0 : index
    %swap3A_96 = arith.constant 0 : index
    %swap3A_97 = vector.load %arg4[%swap3A, %swap3A_95, %swap3A_96] : memref<4x1536x128xf32, #tpu.memory_space<vmem>>, vector<1x1536x128xf32>
    %swap3A_98 = vector.shape_cast %swap3A_97 : vector<1x1536x128xf32> to vector<1536x128xf32>
    %swap3A_99 = vector.shape_cast %min3A_67 : vector<1536x128xf32> to vector<1x1536x128xf32>
    tpu.vector_store %arg4[%swap3A, %swap3A_95, %swap3A_96], %swap3A_99 {strides = array<i32>} : memref<4x1536x128xf32, #tpu.memory_space<vmem>>, vector<1x1536x128xf32>,
    %swap3A_100 = arith.constant 1 : index
    %swap3A_101 = arith.constant 0 : index
    %swap3A_102 = arith.constant 0 : index
    %swap3A_103 = vector.load %arg4[%swap3A_100, %swap3A_101, %swap3A_102] : memref<4x1536x128xf32, #tpu.memory_space<vmem>>, vector<1x1536x128xf32>
    %swap3A_104 = vector.shape_cast %swap3A_103 : vector<1x1536x128xf32> to vector<1536x128xf32>
    %swap3A_105 = vector.shape_cast %min3A_76 : vector<1536x128xf32> to vector<1x1536x128xf32>
    tpu.vector_store %arg4[%swap3A_100, %swap3A_101, %swap3A_102], %swap3A_105 {strides = array<i32>} : memref<4x1536x128xf32, #tpu.memory_space<vmem>>, vector<1x1536x128xf32>,
    %swap3A_106 = arith.constant 2 : index
    %swap3A_107 = arith.constant 0 : index
    %swap3A_108 = arith.constant 0 : index
    %swap3A_109 = vector.load %arg4[%swap3A_106, %swap3A_107, %swap3A_108] : memref<4x1536x128xf32, #tpu.memory_space<vmem>>, vector<1x1536x128xf32>
    %swap3A_110 = vector.shape_cast %swap3A_109 : vector<1x1536x128xf32> to vector<1536x128xf32>
    %swap3A_111 = vector.shape_cast %min3A_85 : vector<1536x128xf32> to vector<1x1536x128xf32>
    tpu.vector_store %arg4[%swap3A_106, %swap3A_107, %swap3A_108], %swap3A_111 {strides = array<i32>} : memref<4x1536x128xf32, #tpu.memory_space<vmem>>, vector<1x1536x128xf32>,
    %swap3A_112 = arith.constant 3 : index
    %swap3A_113 = arith.constant 0 : index
    %swap3A_114 = arith.constant 0 : index
    %swap3A_115 = vector.load %arg4[%swap3A_112, %swap3A_113, %swap3A_114] : memref<4x1536x128xf32, #tpu.memory_space<vmem>>, vector<1x1536x128xf32>
    %swap3A_116 = vector.shape_cast %swap3A_115 : vector<1x1536x128xf32> to vector<1536x128xf32>
    %swap3A_117 = vector.shape_cast %min3A_94 : vector<1536x128xf32> to vector<1x1536x128xf32>
    tpu.vector_store %arg4[%swap3A_112, %swap3A_113, %swap3A_114], %swap3A_117 {strides = array<i32>} : memref<4x1536x128xf32, #tpu.memory_space<vmem>>, vector<1x1536x128xf32>,
    %sub3A_118 = arith.subf %min3A_85, %min3A_67 : vector<1536x128xf32>
    %sub3A_119 = arith.subf %min3A_94, %min3A_76 : vector<1536x128xf32>
    %iota3A = tpu.iota {dimensions = array<i32: 0>} : vector<1536x128xi32>
    %mul3A_120 = arith.constant 128 : i32
    %mul3A_121 = vector.broadcast %mul3A_120 : i32 to vector<1536x128xi32>
    %mul3A_122 = arith.muli %iota3A, %mul3A_121 : vector<1536x128xi32>
    %iota3A_123 = tpu.iota {dimensions = array<i32: 1>} : vector<1536x128xi32>
    %add3A_124 = arith.addi %mul3A_122, %iota3A_123 : vector<1536x128xi32>
    %ge3A = vector.broadcast %get3A_1 : f32 to vector<1536x128xf32>
    %ge3A_125 = arith.cmpf oge, %sub3A_118, %ge3A : vector<1536x128xf32>
    %ge3A_126 = vector.broadcast %get3A_1 : f32 to vector<1536x128xf32>
    %ge3A_127 = arith.cmpf oge, %sub3A_119, %ge3A_126 : vector<1536x128xf32>
    %and3A = arith.andi %ge3A_125, %ge3A_127 : vector<1536x128xi1>
    %lt3A = arith.constant 193536 : i32
    %lt3A_128 = vector.broadcast %lt3A : i32 to vector<1536x128xi32>
    %lt3A_129 = arith.cmpi slt, %add3A_124, %lt3A_128 : vector<1536x128xi32>
    %and3A_130 = arith.andi %and3A, %lt3A_129 : vector<1536x128xi1>
    %get3A_131 = arith.constant 0 : index
    %get3A_132 = arith.constant 0 : index
    %get3A_133 = vector.load %arg2[%get3A_131, %get3A_132] : memref<1536x128xf32, #tpu.memory_space<vmem>>, vector<1536x128xf32>
    %jit3A_134 = arith.constant 0xFF800000 : f32
    %broadcast_in_dim3A = vector.broadcast %jit3A_134 : f32 to vector<1536x128xf32>
    %select_n3A = arith.select %and3A_130, %get3A_133, %broadcast_in_dim3A : vector<1536x128xi1>, vector<1536x128xf32>
    %swap3A_135 = arith.constant 0 : index
    %swap3A_136 = arith.constant 0 : index
    %swap3A_137 = vector.load %arg5[%swap3A_135, %swap3A_136] : memref<1536x128xf32, #tpu.memory_space<vmem>>, vector<1536x128xf32>
    tpu.vector_store %arg5[%swap3A_135, %swap3A_136], %select_n3A {strides = array<i32>} : memref<1536x128xf32, #tpu.memory_space<vmem>>, vector<1536x128xf32>,
    return
  }
}

module attributes {stable_mosaic.version = 14 : i64} {
  func.func @_nms_body(%arg0: memref<4x6144xf32, #tpu.memory_space<vmem>>, %arg1: memref<6144x4xf32, #tpu.memory_space<vmem>>, %arg2: memref<6144x1xf32, #tpu.memory_space<vmem>>) attributes {dimension_semantics = [], scalar_prefetch = 0 : i64, scratch_operands = 0 : i64, tpu.core_type = #tpu.core_type<tc>} {
    %broadcast_in_dim3A = arith.constant 1.000000e+00 : f32
    %broadcast_in_dim3A_0 = vector.broadcast %broadcast_in_dim3A : f32 to vector<6144x1xf32>
    %swap3A = arith.constant 0 : index
    %swap3A_1 = arith.constant 0 : index
    %swap3A_2 = vector.load %arg2[%swap3A, %swap3A_1] : memref<6144x1xf32, #tpu.memory_space<vmem>>, vector<6144x1xf32>
    tpu.vector_store %arg2[%swap3A, %swap3A_1], %broadcast_in_dim3A_0 {strides = array<i32>} : memref<6144x1xf32, #tpu.memory_space<vmem>>, vector<6144x1xf32>,
    %get3A = arith.constant 0 : index
    %get3A_3 = arith.constant 0 : index
    %get3A_4 = vector.load %arg1[%get3A, %get3A_3] : memref<6144x4xf32, #tpu.memory_space<vmem>>, vector<6144x1xf32>
    %get3A_5 = arith.constant 0 : index
    %get3A_6 = arith.constant 1 : index
    %get3A_7 = vector.load %arg1[%get3A_5, %get3A_6] : memref<6144x4xf32, #tpu.memory_space<vmem>>, vector<6144x1xf32>
    %get3A_8 = arith.constant 0 : index
    %get3A_9 = arith.constant 2 : index
    %get3A_10 = vector.load %arg1[%get3A_8, %get3A_9] : memref<6144x4xf32, #tpu.memory_space<vmem>>, vector<6144x1xf32>
    %get3A_11 = arith.constant 0 : index
    %get3A_12 = arith.constant 3 : index
    %get3A_13 = vector.load %arg1[%get3A_11, %get3A_12] : memref<6144x4xf32, #tpu.memory_space<vmem>>, vector<6144x1xf32>
    %sub3A = arith.subf %get3A_10, %get3A_4 : vector<6144x1xf32>
    %sub3A_14 = arith.subf %get3A_13, %get3A_7 : vector<6144x1xf32>
    %mul3A = arith.mulf %sub3A, %sub3A_14 : vector<6144x1xf32>
    %iota3A = tpu.iota {dimensions = array<i32: 0>} : vector<6144x1xi32>
    %iota3A_15 = tpu.iota {dimensions = array<i32: 0>} : vector<128x128xi32>
    %iota3A_16 = tpu.iota {dimensions = array<i32: 1>} : vector<128x128xi32>
    %eq3A = arith.cmpi eq, %iota3A_15, %iota3A_16 : vector<128x128xi32>
    %convert_element_type3A = arith.extui %eq3A : vector<128x128xi1> to vector<128x128xi32>
    %convert_element_type3A_17 = arith.sitofp %convert_element_type3A : vector<128x128xi32> to vector<128x128xf32>
    %iota3A_18 = tpu.iota {dimensions = array<i32: 0>} : vector<128x128xi32>
    %iota3A_19 = tpu.iota {dimensions = array<i32: 1>} : vector<128x128xi32>
    %gt3A = arith.cmpi sgt, %iota3A_18, %iota3A_19 : vector<128x128xi32>
    %convert_element_type3A_20 = arith.extui %gt3A : vector<128x128xi1> to vector<128x128xi32>
    %convert_element_type3A_21 = arith.sitofp %convert_element_type3A_20 : vector<128x128xi32> to vector<128x128xf32>
    %iota3A_22 = tpu.iota {dimensions = array<i32: 0>} : vector<128x1xi32>
    %while3A = arith.constant 0 : i32
    %while3A_23 = arith.constant 0.000000e+00 : f32
    %while3A_24:2 = scf.while (%while3A_25 = %while3A, %while3A_26 = %while3A_23) : (i32, f32) -> (i32, f32) {
      %lt3A = arith.constant 48 : i32
      %lt3A_27 = arith.cmpi slt, %while3A_25, %lt3A : i32
      %lt3A_28 = arith.constant 3.000000e+02 : f32
      %lt3A_29 = arith.cmpf olt, %while3A_26, %lt3A_28 : f32
      %and3A = arith.andi %lt3A_27, %lt3A_29 : i1
      scf.condition(%and3A) %while3A_25, %while3A_26 : i32, f32
    } do {
    ^bb0(%while3A_25: i32, %while3A_26: f32):
      %mul3A_27 = arith.constant 128 : i32
      %mul3A_28 = arith.muli %while3A_25, %mul3A_27 : i32
      %get3A_29 = arith.constant 0 : index
      %get3A_30 = arith.index_cast %mul3A_28 : i32 to index
      %get3A_31 = vector.load %arg0[%get3A_29, %get3A_30] : memref<4x6144xf32, #tpu.memory_space<vmem>>, vector<1x128xf32>
      %get3A_32 = arith.constant 1 : index
      %get3A_33 = arith.index_cast %mul3A_28 : i32 to index
      %get3A_34 = vector.load %arg0[%get3A_32, %get3A_33] : memref<4x6144xf32, #tpu.memory_space<vmem>>, vector<1x128xf32>
      %get3A_35 = arith.constant 2 : index
      %get3A_36 = arith.index_cast %mul3A_28 : i32 to index
      %get3A_37 = vector.load %arg0[%get3A_35, %get3A_36] : memref<4x6144xf32, #tpu.memory_space<vmem>>, vector<1x128xf32>
      %get3A_38 = arith.constant 3 : index
      %get3A_39 = arith.index_cast %mul3A_28 : i32 to index
      %get3A_40 = vector.load %arg0[%get3A_38, %get3A_39] : memref<4x6144xf32, #tpu.memory_space<vmem>>, vector<1x128xf32>
      %sub3A_41 = arith.subf %get3A_37, %get3A_31 : vector<1x128xf32>
      %sub3A_42 = arith.subf %get3A_40, %get3A_34 : vector<1x128xf32>
      %mul3A_43 = arith.mulf %sub3A_41, %sub3A_42 : vector<1x128xf32>
      %max3A = vector.broadcast %get3A_4 : vector<6144x1xf32> to vector<6144x128xf32>
      %max3A_44 = vector.broadcast %get3A_31 : vector<1x128xf32> to vector<6144x128xf32>
      %max3A_45 = arith.maximumf %max3A, %max3A_44 : vector<6144x128xf32>
      %max3A_46 = vector.broadcast %get3A_7 : vector<6144x1xf32> to vector<6144x128xf32>
      %max3A_47 = vector.broadcast %get3A_34 : vector<1x128xf32> to vector<6144x128xf32>
      %max3A_48 = arith.maximumf %max3A_46, %max3A_47 : vector<6144x128xf32>
      %min3A = vector.broadcast %get3A_10 : vector<6144x1xf32> to vector<6144x128xf32>
      %min3A_49 = vector.broadcast %get3A_37 : vector<1x128xf32> to vector<6144x128xf32>
      %min3A_50 = arith.minimumf %min3A, %min3A_49 : vector<6144x128xf32>
      %min3A_51 = vector.broadcast %get3A_13 : vector<6144x1xf32> to vector<6144x128xf32>
      %min3A_52 = vector.broadcast %get3A_40 : vector<1x128xf32> to vector<6144x128xf32>
      %min3A_53 = arith.minimumf %min3A_51, %min3A_52 : vector<6144x128xf32>
      %sub3A_54 = arith.subf %min3A_50, %max3A_45 : vector<6144x128xf32>
      %max3A_55 = arith.constant 0.000000e+00 : f32
      %max3A_56 = vector.broadcast %max3A_55 : f32 to vector<6144x128xf32>
      %max3A_57 = arith.maximumf %sub3A_54, %max3A_56 : vector<6144x128xf32>
      %sub3A_58 = arith.subf %min3A_53, %max3A_48 : vector<6144x128xf32>
      %max3A_59 = arith.constant 0.000000e+00 : f32
      %max3A_60 = vector.broadcast %max3A_59 : f32 to vector<6144x128xf32>
      %max3A_61 = arith.maximumf %sub3A_58, %max3A_60 : vector<6144x128xf32>
      %mul3A_62 = arith.mulf %max3A_57, %max3A_61 : vector<6144x128xf32>
      %add3A = vector.broadcast %mul3A : vector<6144x1xf32> to vector<6144x128xf32>
      %add3A_63 = vector.broadcast %mul3A_43 : vector<1x128xf32> to vector<6144x128xf32>
      %add3A_64 = arith.addf %add3A, %add3A_63 : vector<6144x128xf32>
      %sub3A_65 = arith.subf %add3A_64, %mul3A_62 : vector<6144x128xf32>
      %gt3A_66 = arith.constant 0.000000e+00 : f32
      %gt3A_67 = vector.broadcast %gt3A_66 : f32 to vector<6144x128xf32>
      %gt3A_68 = arith.cmpf ogt, %sub3A_65, %gt3A_67 : vector<6144x128xf32>
      %gt3A_69 = arith.constant 0.000000e+00 : f32
      %gt3A_70 = vector.broadcast %gt3A_69 : f32 to vector<6144x128xf32>
      %gt3A_71 = arith.cmpf ogt, %sub3A_65, %gt3A_70 : vector<6144x128xf32>
      %jit3A = arith.constant 1.000000e+00 : f32
      %broadcast_in_dim3A_72 = vector.broadcast %jit3A : f32 to vector<6144x128xf32>
      %select_n3A = arith.select %gt3A_71, %sub3A_65, %broadcast_in_dim3A_72 : vector<6144x128xi1>, vector<6144x128xf32>
      %div3A = arith.divf %mul3A_62, %select_n3A : vector<6144x128xf32>
      %jit3A_73 = arith.constant 0.000000e+00 : f32
      %broadcast_in_dim3A_74 = vector.broadcast %jit3A_73 : f32 to vector<6144x128xf32>
      %select_n3A_75 = arith.select %gt3A_68, %div3A, %broadcast_in_dim3A_74 : vector<6144x128xi1>, vector<6144x128xf32>
      %gt3A_76 = arith.constant 0.699999988 : f32
      %gt3A_77 = vector.broadcast %gt3A_76 : f32 to vector<6144x128xf32>
      %gt3A_78 = arith.cmpf ogt, %select_n3A_75, %gt3A_77 : vector<6144x128xf32>
      %convert_element_type3A_79 = arith.extui %gt3A_78 : vector<6144x128xi1> to vector<6144x128xi32>
      %convert_element_type3A_80 = arith.sitofp %convert_element_type3A_79 : vector<6144x128xi32> to vector<6144x128xf32>
      %get3A_81 = arith.index_cast %mul3A_28 : i32 to index
      %get3A_82 = arith.constant 0 : index
      %get3A_83 = vector.load %arg1[%get3A_81, %get3A_82] : memref<6144x4xf32, #tpu.memory_space<vmem>>, vector<128x1xf32>
      %get3A_84 = arith.index_cast %mul3A_28 : i32 to index
      %get3A_85 = arith.constant 1 : index
      %get3A_86 = vector.load %arg1[%get3A_84, %get3A_85] : memref<6144x4xf32, #tpu.memory_space<vmem>>, vector<128x1xf32>
      %get3A_87 = arith.index_cast %mul3A_28 : i32 to index
      %get3A_88 = arith.constant 2 : index
      %get3A_89 = vector.load %arg1[%get3A_87, %get3A_88] : memref<6144x4xf32, #tpu.memory_space<vmem>>, vector<128x1xf32>
      %get3A_90 = arith.index_cast %mul3A_28 : i32 to index
      %get3A_91 = arith.constant 3 : index
      %get3A_92 = vector.load %arg1[%get3A_90, %get3A_91] : memref<6144x4xf32, #tpu.memory_space<vmem>>, vector<128x1xf32>
      %sub3A_93 = arith.subf %get3A_89, %get3A_83 : vector<128x1xf32>
      %sub3A_94 = arith.subf %get3A_92, %get3A_86 : vector<128x1xf32>
      %mul3A_95 = arith.mulf %sub3A_93, %sub3A_94 : vector<128x1xf32>
      %min3A_96 = vector.broadcast %get3A_89 : vector<128x1xf32> to vector<128x128xf32>
      %min3A_97 = vector.broadcast %get3A_37 : vector<1x128xf32> to vector<128x128xf32>
      %min3A_98 = arith.minimumf %min3A_96, %min3A_97 : vector<128x128xf32>
      %max3A_99 = vector.broadcast %get3A_83 : vector<128x1xf32> to vector<128x128xf32>
      %max3A_100 = vector.broadcast %get3A_31 : vector<1x128xf32> to vector<128x128xf32>
      %max3A_101 = arith.maximumf %max3A_99, %max3A_100 : vector<128x128xf32>
      %sub3A_102 = arith.subf %min3A_98, %max3A_101 : vector<128x128xf32>
      %max3A_103 = arith.constant 0.000000e+00 : f32
      %max3A_104 = vector.broadcast %max3A_103 : f32 to vector<128x128xf32>
      %max3A_105 = arith.maximumf %sub3A_102, %max3A_104 : vector<128x128xf32>
      %min3A_106 = vector.broadcast %get3A_92 : vector<128x1xf32> to vector<128x128xf32>
      %min3A_107 = vector.broadcast %get3A_40 : vector<1x128xf32> to vector<128x128xf32>
      %min3A_108 = arith.minimumf %min3A_106, %min3A_107 : vector<128x128xf32>
      %max3A_109 = vector.broadcast %get3A_86 : vector<128x1xf32> to vector<128x128xf32>
      %max3A_110 = vector.broadcast %get3A_34 : vector<1x128xf32> to vector<128x128xf32>
      %max3A_111 = arith.maximumf %max3A_109, %max3A_110 : vector<128x128xf32>
      %sub3A_112 = arith.subf %min3A_108, %max3A_111 : vector<128x128xf32>
      %max3A_113 = arith.constant 0.000000e+00 : f32
      %max3A_114 = vector.broadcast %max3A_113 : f32 to vector<128x128xf32>
      %max3A_115 = arith.maximumf %sub3A_112, %max3A_114 : vector<128x128xf32>
      %mul3A_116 = arith.mulf %max3A_105, %max3A_115 : vector<128x128xf32>
      %add3A_117 = vector.broadcast %mul3A_95 : vector<128x1xf32> to vector<128x128xf32>
      %add3A_118 = vector.broadcast %mul3A_43 : vector<1x128xf32> to vector<128x128xf32>
      %add3A_119 = arith.addf %add3A_117, %add3A_118 : vector<128x128xf32>
      %sub3A_120 = arith.subf %add3A_119, %mul3A_116 : vector<128x128xf32>
      %gt3A_121 = arith.constant 0.000000e+00 : f32
      %gt3A_122 = vector.broadcast %gt3A_121 : f32 to vector<128x128xf32>
      %gt3A_123 = arith.cmpf ogt, %sub3A_120, %gt3A_122 : vector<128x128xf32>
      %gt3A_124 = arith.constant 0.000000e+00 : f32
      %gt3A_125 = vector.broadcast %gt3A_124 : f32 to vector<128x128xf32>
      %gt3A_126 = arith.cmpf ogt, %sub3A_120, %gt3A_125 : vector<128x128xf32>
      %jit3A_127 = arith.constant 1.000000e+00 : f32
      %broadcast_in_dim3A_128 = vector.broadcast %jit3A_127 : f32 to vector<128x128xf32>
      %select_n3A_129 = arith.select %gt3A_126, %sub3A_120, %broadcast_in_dim3A_128 : vector<128x128xi1>, vector<128x128xf32>
      %div3A_130 = arith.divf %mul3A_116, %select_n3A_129 : vector<128x128xf32>
      %jit3A_131 = arith.constant 0.000000e+00 : f32
      %broadcast_in_dim3A_132 = vector.broadcast %jit3A_131 : f32 to vector<128x128xf32>
      %select_n3A_133 = arith.select %gt3A_123, %div3A_130, %broadcast_in_dim3A_132 : vector<128x128xi1>, vector<128x128xf32>
      %gt3A_134 = arith.constant 0.699999988 : f32
      %gt3A_135 = vector.broadcast %gt3A_134 : f32 to vector<128x128xf32>
      %gt3A_136 = arith.cmpf ogt, %select_n3A_133, %gt3A_135 : vector<128x128xf32>
      %convert_element_type3A_137 = arith.extui %gt3A_136 : vector<128x128xi1> to vector<128x128xi32>
      %convert_element_type3A_138 = arith.sitofp %convert_element_type3A_137 : vector<128x128xi32> to vector<128x128xf32>
      %mul3A_139 = arith.mulf %convert_element_type3A_138, %convert_element_type3A_21 : vector<128x128xf32>
      %get3A_140 = arith.index_cast %mul3A_28 : i32 to index
      %get3A_141 = arith.constant 0 : index
      %get3A_142 = vector.load %arg2[%get3A_140, %get3A_141] : memref<6144x1xf32, #tpu.memory_space<vmem>>, vector<128x1xf32>
      %while3A_143 = arith.constant 0 : i32
      %while3A_144 = arith.constant true
      %while3A_145:3 = scf.while (%while3A_184 = %get3A_142, %while3A_185 = %while3A_143, %while3A_186 = %while3A_144) : (vector<128x1xf32>, i32, i1) -> (vector<128x1xf32>, i32, i1) {
        %lt3A_187 = arith.constant 130 : i32
        %lt3A_188 = arith.cmpi slt, %while3A_185, %lt3A_187 : i32
        %and3A = arith.andi %while3A_186, %lt3A_188 : i1
        scf.condition(%and3A) %while3A_184, %while3A_185, %while3A_186 : vector<128x1xf32>, i32, i1
      } do {
      ^bb0(%while3A_184: vector<128x1xf32>, %while3A_185: i32, %while3A_186: i1):
        %dot_general3A_187 = arith.constant dense<0.000000e+00> : vector<1x128xf32>
        %dot_general3A_188 = tpu.matmul %while3A_184, %convert_element_type3A_17, %dot_general3A_187 {dimension_numbers = #tpu.dot_dimension_numbers<[0], [0], [1], [1], [0, 1, 1, 1], [], []>, transpose_lhs_hint = false} : vector<128x1xf32>, vector<128x128xf32>, vector<1x128xf32> -> vector<1x128xf32>
        %mul3A_189 = vector.broadcast %dot_general3A_188 : vector<1x128xf32> to vector<128x128xf32>
        %mul3A_190 = arith.mulf %mul3A_139, %mul3A_189 : vector<128x128xf32>
        %reduce_max3A_191 = arith.constant dense<0xFF800000> : vector<128xf32>
        %reduce_max3A_192 = vector.multi_reduction <maximumf>, %mul3A_190, %reduce_max3A_191 [1] : vector<128x128xf32> to vector<128xf32>
        %broadcast_in_dim3A_193 = vector.shape_cast %reduce_max3A_192 : vector<128xf32> to vector<128x1xf32>
        %sub3A_194 = arith.constant 1.000000e+00 : f32
        %sub3A_195 = vector.broadcast %sub3A_194 : f32 to vector<128x1xf32>
        %sub3A_196 = arith.subf %sub3A_195, %broadcast_in_dim3A_193 : vector<128x1xf32>
        %mul3A_197 = arith.mulf %get3A_142, %sub3A_196 : vector<128x1xf32>
        %sub3A_198 = arith.subf %mul3A_197, %while3A_184 : vector<128x1xf32>
        %abs3A = math.absf %sub3A_198 : vector<128x1xf32>
        %reduce_sum3A_199 = vector.shape_cast %abs3A : vector<128x1xf32> to vector<1x128x1xf32>
        %reduce_sum3A_200 = arith.constant dense<0.000000e+00> : vector<1xf32>
        %reduce_sum3A_201 = vector.multi_reduction <add>, %reduce_sum3A_199, %reduce_sum3A_200 [1, 2] : vector<1x128x1xf32> to vector<1xf32>
        %reduce_sum3A_202 = vector.shape_cast %reduce_sum3A_201 : vector<1xf32> to vector<1x1x1xf32>
        %reduce_sum3A_203 = vector.extract %reduce_sum3A_202[0, 0, 0] : f32 from vector<1x1x1xf32>
        %gt3A_204 = arith.constant 0.000000e+00 : f32
        %gt3A_205 = arith.cmpf ogt, %reduce_sum3A_203, %gt3A_204 : f32
        %add3A_206 = arith.constant 1 : i32
        %add3A_207 = arith.addi %while3A_185, %add3A_206 : i32
        scf.yield %mul3A_197, %add3A_207, %gt3A_205 : vector<128x1xf32>, i32, i1
      }
      %dot_general3A = arith.constant dense<0.000000e+00> : vector<1x128xf32>
      %dot_general3A_146 = tpu.matmul %while3A_145#0, %convert_element_type3A_17, %dot_general3A {dimension_numbers = #tpu.dot_dimension_numbers<[0], [0], [1], [1], [0, 1, 1, 1], [], []>, transpose_lhs_hint = false} : vector<128x1xf32>, vector<128x128xf32>, vector<1x128xf32> -> vector<1x128xf32>
      %iota3A_147 = tpu.iota {dimensions = array<i32: 1>} : vector<1x128xi32>
      %add3A_148 = vector.broadcast %mul3A_28 : i32 to vector<1x128xi32>
      %add3A_149 = arith.addi %add3A_148, %iota3A_147 : vector<1x128xi32>
      %gt3A_150 = vector.broadcast %iota3A : vector<6144x1xi32> to vector<6144x128xi32>
      %gt3A_151 = vector.broadcast %add3A_149 : vector<1x128xi32> to vector<6144x128xi32>
      %gt3A_152 = arith.cmpi sgt, %gt3A_150, %gt3A_151 : vector<6144x128xi32>
      %convert_element_type3A_153 = arith.extui %gt3A_152 : vector<6144x128xi1> to vector<6144x128xi32>
      %convert_element_type3A_154 = arith.sitofp %convert_element_type3A_153 : vector<6144x128xi32> to vector<6144x128xf32>
      %mul3A_155 = arith.mulf %convert_element_type3A_80, %convert_element_type3A_154 : vector<6144x128xf32>
      %mul3A_156 = vector.broadcast %dot_general3A_146 : vector<1x128xf32> to vector<6144x128xf32>
      %mul3A_157 = arith.mulf %mul3A_155, %mul3A_156 : vector<6144x128xf32>
      %reduce_max3A = arith.constant dense<0xFF800000> : vector<6144xf32>
      %reduce_max3A_158 = vector.multi_reduction <maximumf>, %mul3A_157, %reduce_max3A [1] : vector<6144x128xf32> to vector<6144xf32>
      %broadcast_in_dim3A_159 = vector.shape_cast %reduce_max3A_158 : vector<6144xf32> to vector<6144x1xf32>
      %get3A_160 = arith.constant 0 : index
      %get3A_161 = arith.constant 0 : index
      %get3A_162 = vector.load %arg2[%get3A_160, %get3A_161] : memref<6144x1xf32, #tpu.memory_space<vmem>>, vector<6144x1xf32>
      %sub3A_163 = arith.constant 1.000000e+00 : f32
      %sub3A_164 = vector.broadcast %sub3A_163 : f32 to vector<6144x1xf32>
      %sub3A_165 = arith.subf %sub3A_164, %broadcast_in_dim3A_159 : vector<6144x1xf32>
      %mul3A_166 = arith.mulf %get3A_162, %sub3A_165 : vector<6144x1xf32>
      %swap3A_167 = arith.constant 0 : index
      %swap3A_168 = arith.constant 0 : index
      %swap3A_169 = vector.load %arg2[%swap3A_167, %swap3A_168] : memref<6144x1xf32, #tpu.memory_space<vmem>>, vector<6144x1xf32>
      tpu.vector_store %arg2[%swap3A_167, %swap3A_168], %mul3A_166 {strides = array<i32>} : memref<6144x1xf32, #tpu.memory_space<vmem>>, vector<6144x1xf32>,
      %add3A_170 = vector.broadcast %mul3A_28 : i32 to vector<128x1xi32>
      %add3A_171 = arith.addi %add3A_170, %iota3A_22 : vector<128x1xi32>
      %lt3A = arith.constant 6000 : i32
      %lt3A_172 = vector.broadcast %lt3A : i32 to vector<128x1xi32>
      %lt3A_173 = arith.cmpi slt, %add3A_171, %lt3A_172 : vector<128x1xi32>
      %convert_element_type3A_174 = arith.extui %lt3A_173 : vector<128x1xi1> to vector<128x1xi32>
      %convert_element_type3A_175 = arith.sitofp %convert_element_type3A_174 : vector<128x1xi32> to vector<128x1xf32>
      %mul3A_176 = arith.mulf %while3A_145#0, %convert_element_type3A_175 : vector<128x1xf32>
      %reduce_sum3A = vector.shape_cast %mul3A_176 : vector<128x1xf32> to vector<1x128x1xf32>
      %reduce_sum3A_177 = arith.constant dense<0.000000e+00> : vector<1xf32>
      %reduce_sum3A_178 = vector.multi_reduction <add>, %reduce_sum3A, %reduce_sum3A_177 [1, 2] : vector<1x128x1xf32> to vector<1xf32>
      %reduce_sum3A_179 = vector.shape_cast %reduce_sum3A_178 : vector<1xf32> to vector<1x1x1xf32>
      %reduce_sum3A_180 = vector.extract %reduce_sum3A_179[0, 0, 0] : f32 from vector<1x1x1xf32>
      %add3A_181 = arith.addf %while3A_26, %reduce_sum3A_180 : f32
      %add3A_182 = arith.constant 1 : i32
      %add3A_183 = arith.addi %while3A_25, %add3A_182 : i32
      scf.yield %add3A_183, %add3A_181 : i32, f32
    }
    return
  }
}

</mosaic_0001>

<sc_bundles>
// kernel: gather_offload_async_start.1
scs
__scs_entry_jumppad:
0x0: {  	(pc) =	sbr.rel $0x88, $3  }
0x1: {  	(tag) =	ssettag $0x0;
	lr =	simm.s32 $0x1  }
0x2: {  	[smem:$0x3F96] =	sst lr;
	_ =	strace $0xD0000000  }
0x3: {  	_ = 	snop  }
0x4: {  	_ = 	snop  }
0x5: {  	_ = 	snop  }
0x6: {  	_ = 	snop  }
0x7: {  	_ = 	snop  }
__scs_overlays_trampoline_lowered:
0x8: {  	[smem:$0x3FA5] =	sst s0  }
0x9: {  	[smem:$0x3FA6] =	sst s1  }
0xa: {  	[smem:$0x3FA7] =	sst s2  }
0xb: {  	[smem:$0x3FA8] =	sst s3  }
0xc: {  	[smem:$0x3FA9] =	sst s4  }
0xd: {  	[smem:$0x3FAA] =	sst s5  }
0xe: {  	[smem:$0x3FAB] =	sst s6  }
0xf: {  	[smem:$0x3FAC] =	sst s7  }
0x10: {  	[smem:$0x3FAD] =	sst s8  }
0x11: {  	[smem:$0x3FAE] =	sst s9;
	s0 =	simm.s32 @!p0 $0x0  }
0x12: {  	s1 =	sld [smem:$0x3F94];
	s0 =	simm.s32 @p0 $0x1  }
0x13: {  	[smem:$0x3FAF] =	sst s0;
	s0 =	simm.s32 @!p1 $0x0  }
0x14: {  	s2 =	sld [smem:$0x3F93];
	s0 =	simm.s32 @p1 $0x1  }
0x15: {  	[smem:$0x3FB0] =	sst s0;
	s0 =	simm.s32 @!p2 $0x0  }
0x16: {  	s3 =	sld [smem:$0x3FDB];
	s0 =	simm.s32 @p2 $0x1  }
0x17: {  	s4 =	simm.s32 $0x1BF5;
	[smem:$0x3FB2] =	sst s0  }
0x18: {  	s0 =	sld [smem:$0x3F95];
	_ =	swait.ge [sflag:s4], $0x0  }
0x19: {  	s7 =	sld [smem:$0x3F96]  }
0x1a: {  	s8 =	sadd.s32 $0xFFFFE003, lr  }
0x1b: {  	s9 =	sadd.s32 $0xFFFFFEF7, lr;
	s5 =	simm.s32 $0xFFFFFFFF;
	p2 =	slt.u32 s8, $0xFFFFF086  }
0x1c: {  	p1 =	slt.u32 s9, $0xF7A;
	s5 =	simm.s32 @!p2 $0x0  }
0x1d: {  	s5 =	simm.s32 @p1 $0x1;
	p0 =	seq.s32 s7, s2  }
0x1e: {  	s7 =	smul.u32 @!p0 $0xF7A, s2;
	p2 =	seq.s32 @!p0 s5, $0x0  }
0x1f: {  	s9 =	smul.u32 $0xF7A, s1;
	s8 =	simm.s32 @!p0 $0x1BF5;
	p2 =	por !p2, p0  }
0x20: {  	[sflag:s8] =	ssyncset.s32 @!p0 $0xFFFFF086;
	s6 =	sadd.s32 @!p0 s3, s7;
	s7 =	simm.s32 @!p0 $0x108  }
0x21: {  	s3 =	sadd.s32 s3, s9;
	s6 =	sadd.s32 @!p0 $0x88, s6;
	s7 =	simm.s32 @p2 $0x1082  }
0x22: {  	[simem:s7], [sflag:s8] =	dma.local @!p0 [hbm:s6], $0xF7A  }
0x23: {  	s9 =	sor.u32 $0xD0000000, s2;
	s6 =	simm.s32 $0x108;
	_ =	swait.ge @!p0 [sflag:s8], $0x0  }
0x24: {  	s3 =	sadd.s32 $0x88, s3;
	s6 =	simm.s32 @!p1 $0x1082;
	[sflag:s4] =	ssyncset.s32 $0xFFFFF086  }
0x25: {  	[simem:s6], [sflag:s4] =	dma.local [hbm:s3], $0xF7A  }
0x26: {  	[smem:$0x3F96] =	sst s1;
	(tag) =	ssettag s2;
	_ =	strace s9  }
0x27: {  	s1 =	sld [smem:$0x3FA6]  }
0x28: {  	s2 =	sld [smem:$0x3FA7]  }
0x29: {  	s4 =	sld [smem:$0x3FA9]  }
0x2a: {  	p0 =	seq.s32 s5, $0x0;
	s5 =	sld [smem:$0x3FAA]  }
0x2b: {  	s6 =	sld [smem:$0x3FAB]  }
0x2c: {  	s7 =	sld [smem:$0x3FAC]  }
0x2d: {  	s3 =	simm.s32 $0x108;
	s8 =	sld [smem:$0x3FAD]  }
0x2e: {  	s3 =	simm.s32 @!p0 $0x1082;
	s9 =	sld [smem:$0x3FAE]  }
0x2f: {  	lr =	sadd.s32 s0, s3;
	s0 =	sld [smem:$0x3FA5]  }
0x30: {  	s3 =	sld [smem:$0x3FA8]  }
0x31: {  	[smem:$0x3FB1] =	sst s10  }
0x32: {  	s10 =	sld [smem:$0x3FAF];
	_ =	sdelay $0x3  }
0x33: {  	p0 =	seq.s32 s10, $0x1;
	s10 =	sld [smem:$0x3FB1];
	_ =	sdelay $0x3  }
0x34: {  	[smem:$0x3FB1] =	sst s10  }
0x35: {  	s10 =	sld [smem:$0x3FB0];
	_ =	sdelay $0x3  }
0x36: {  	p1 =	seq.s32 s10, $0x1;
	s10 =	sld [smem:$0x3FB1];
	_ =	sdelay $0x3  }
0x37: {  	[smem:$0x3FB1] =	sst s10  }
0x38: {  	s10 =	sld [smem:$0x3FB2]  }
0x39: {  	_ = 	snop;
	(pc) =	sbr.ind lr, $3  }
0x3a: {  	_ = 	snop  }
0x3b: {  	_ = 	snop  }
0x3c: {  	p2 =	seq.s32 s10, $0x1;
	s10 =	sld [smem:$0x3FB1]  }
0x3d: {  	_ =	shalt  }
0x3e: {  	_ =	shalt  }
0x3f: {  	_ =	shalt  }
0x40: {  	_ =	shalt  }
0x41: {  	_ =	shalt  }
0x42: {  	_ =	shalt  }
0x43: {  	_ =	shalt  }
0x44: {  	_ =	shalt  }
0x45: {  	_ =	shalt  }
0x46: {  	_ =	shalt  }
0x47: {  	_ =	shalt  }
0x48: {  	_ =	shalt  }
0x49: {  	_ =	shalt  }
0x4a: {  	_ =	shalt  }
0x4b: {  	_ =	shalt  }
0x4c: {  	_ =	shalt  }
0x4d: {  	_ =	shalt  }
0x4e: {  	_ =	shalt  }
0x4f: {  	_ =	shalt  }
0x50: {  	_ =	shalt  }
0x51: {  	_ =	shalt  }
0x52: {  	_ =	shalt  }
0x53: {  	_ =	shalt  }
0x54: {  	_ =	shalt  }
0x55: {  	_ =	shalt  }
0x56: {  	_ =	shalt  }
0x57: {  	_ =	shalt  }
0x58: {  	_ =	shalt  }
0x59: {  	_ =	shalt  }
0x5a: {  	_ =	shalt  }
0x5b: {  	_ =	shalt  }
0x5c: {  	_ =	shalt  }
0x5d: {  	_ =	shalt  }
0x5e: {  	_ =	shalt  }
0x5f: {  	_ =	shalt  }
0x60: {  	_ =	shalt  }
0x61: {  	_ =	shalt  }
0x62: {  	_ =	shalt  }
0x63: {  	_ =	shalt  }
0x64: {  	_ =	shalt  }
0x65: {  	_ =	shalt  }
0x66: {  	_ =	shalt  }
0x67: {  	_ =	shalt  }
0x68: {  	_ =	shalt  }
0x69: {  	_ =	shalt  }
0x6a: {  	_ =	shalt  }
0x6b: {  	_ =	shalt  }
0x6c: {  	_ =	shalt  }
0x6d: {  	_ =	shalt  }
0x6e: {  	_ =	shalt  }
0x6f: {  	_ =	shalt  }
0x70: {  	_ =	shalt  }
0x71: {  	_ =	shalt  }
0x72: {  	_ =	shalt  }
0x73: {  	_ =	shalt  }
0x74: {  	_ =	shalt  }
0x75: {  	_ =	shalt  }
0x76: {  	_ =	shalt  }
0x77: {  	_ =	shalt  }
0x78: {  	_ =	shalt  }
0x79: {  	_ =	shalt  }
0x7a: {  	_ =	shalt  }
0x7b: {  	_ =	shalt  }
0x7c: {  	_ =	shalt  }
0x7d: {  	_ =	shalt  }
0x7e: {  	_ =	shalt  }
0x7f: {  	_ =	shalt  }
0x80: {  	_ =	shalt  }
0x81: {  	_ =	shalt  }
0x82: {  	_ =	shalt  }
0x83: {  	_ =	shalt  }
0x84: {  	_ =	shalt  }
0x85: {  	_ =	shalt  }
0x86: {  	_ =	shalt  }
0x87: {  	_ =	shalt  }
.Lfunc_end0:
.L_simem_size_0:
called_computation.1_lowered:
.L_overlay_start_0:
0x88: {  	s0 =	sld [smem:$0x3FD9]  }
0x89: {  	s1 =	sld [smem:$0x3FFE];
	_ =	sdelay $0x3  }
0x8a: {  	s0 =	sadd.s32 s1, s0  }
0x8b: {  	[smem:$0x3FBD] =	sst s0  }
0x8c: {  	_ = 	snop  }
0x8d: {  	s0 =	sld [smem:$0x3FD0];
	_ =	sdelay $0x2  }
0x8e: {  	s13 =	simm.s32 $0xA;
	s2 =	simm.s32 $0x10  }
0x8f: {  	[smem:s2], [sflag:s13] =	dma.local [hbm:s0], $0x1  }
0x90: {  	_ =	swait.eq [sflag:s13], $0x1  }
0x91: {  	[sflag:s13] =	ssyncset.done $0x0  }
0x92: {  	[sflag:s13] =	ssyncadd.s32 $0xFFFFFFFF  }
0x93: {  	s14 =	sld [smem:$0x15];
	(tm) =	ssettm $0x1  }
0x94: {  	s15 =	sld [smem:$0x3FFB];
	_ =	sdelay $0x3  }
0x95: {  	_ =	strace s15  }
0x96: {  	s1 =	sld [smem:$0x3FFC];
	_ =	sdelay $0x3  }
0x97: {  	_ =	strace s1  }
0x98: {  	s1 =	sld [smem:$0x3FFD];
	_ =	sdelay $0x3  }
0x99: {  	_ =	strace s1  }
0x9a: {  	_ =	strace $0x8FFFFFFF  }
0x9b: {  	s16 =	sld [smem:$0x3FDB];
	_ =	sdelay $0x1  }
0x9c: {  	s17 =	simm.s32 $_scs_section_size  }
0x9d: {  	s3 =	simm.s32 $_size__tile_overlayer_lowered;
	s4 =	simm.s32 $_tile_overlayer_lowered  }
0x9e: {  	s20 =	simm.s32 $0x1BFF;
	s19 =	sshll.u32 s4, $0x1;
	s1 =	sadd.s32 s17, s16  }
0x9f: {  	s5 =	simm.s32 $0x0;
	s18 =	sshll.u32 s3, $0x1;
	s3 =	sadd.s32 s19, s1  }
0xa0: {  	[timem:s5], [sflag:s20] =	dma.local [hbm:s3], s18  }
0xa1: {  	_ =	swait.ge [sflag:s20], s18  }
0xa2: {  	s2 =	ssub.s32 $0x0, s18;
	[sflag:s20] =	ssyncset.done $0x0  }
0xa3: {  	[sflag:s20] =	ssyncadd.s32 s2;
	_ =	sdelay $0x1  }
0xa4: {  	s21 =	simm.s32 $0x1B8B  }
0xa5: {  	_ =	swait.ge [sflag:s21], $0x1  }
0xa6: {  	[sflag:s21] =	ssyncset.done $0x0  }
0xa7: {  	s23 =	simm.s32 $0x1B8E;
	s22 =	sld [smem:$0x3FFE];
	[sflag:s21] =	ssyncadd.s32 $0xFFFFFFFF  }
0xa8: {  	s24 =	simm.s32 $execute0_lowered;
	[smem:$0x3FD2] =	sst s23  }
0xa9: {  	s3 =	sshll.u32 s24, $0x1;
	_ =	strace $0x80000049;
	[dreg:$0x1] =	wrdreg $0xFFFFFFFF  }
0xaa: {  	s25 =	simm.s32 $_size_execute0_lowered;
	s1 =	sadd.s32 s1, s3;
	[dreg:$0x0] =	wrdreg $0x0  }
0xab: {  	s3 =	sshll.u32 s25, $0x1;
	[dreg:$0x2] =	wrdreg s1  }
0xac: {  	[dreg:$0x3] =	wrdreg s3  }
0xad: {  	[dreg:$0x4] =	wrdreg $0xC0  }
0xae: {  	_ =	task [dreg:s5], $0x5FFFF  }
0xaf: {  	[dreg:$0x1] =	wrdreg $0xFFFFFFFF  }
0xb0: {  	[dreg:$0x0] =	wrdreg $0x60  }
0xb1: {  	[dreg:$0x2] =	wrdreg s22  }
0xb2: {  	[dreg:$0x3] =	wrdreg s14  }
0xb3: {  	[dreg:$0x4] =	wrdreg $0x9  }
0xb4: {  	_ =	task.clear_ibuf [dreg:s5], $0x5FFFF;
	_ =	strace $0x90000049  }
0xb5: {  	s26 =	simm.s32 $0x9;
	_ =	strace $0x8000004B  }
0xb6: {  	_ =	swait.ge [sflag:s26], $0x1  }
0xb7: {  	[sflag:s26] =	ssyncadd.s32 $0xFFFFFFFF  }
0xb8: {  	_ =	strace $0x9000004B  }
0xb9: {  	_ =	sfence  }
0xba: {  	s28 =	sld [smem:$0x0];
	_ =	sdelay $0x1  }
0xbb: {  	s29 =	srdreg.scid  }
0xbc: {  	s30 =	sshll.u32 s29, $0xD;
	s31 =	sshrl.u32 s29, $0x2  }
0xbd: {  	s2 =	sand.u32 $0x4000, s30;
	s1 =	sand.u32 $0x1, s29;
	s0 =	sadd.s32 s31, s28  }
0xbe: {  	s1 =	sor.u32 s2, s1;
	s0 =	sshll.u32 s0, $0x11  }
0xbf: {  	s0 =	sor.u32 s0, s1  }
0xc0: {  	s0 =	sadd.s32 $0x8F2B, s0  }
0xc1: {  	[sflag:s0] =	ssyncadd.remote.s32 $0x1  }
0xc2: {  	_ =	sfence.sel $0xFFFF  }
0xc3: {  	[dreg:$0x0] =	wrdreg $0xFFFFFFFF;
	(pc) =	sbr.abs _section_cstart, $3  }
0xc4: {  	[dreg:$0x1] =	wrdreg $0xFFFFFFFF  }
0xc5: {  	_ =	task.clear_ibuf [dreg:s5], $0x2FFFF;
	_ =	strace $0x9FFFFFFF  }
0xc6: {  	(tm) =	ssettm $0x7FFFFFFF  }
0xc7: {  	_ =	shalt  }
tec
execute0_lowered:
.L_overlay_start_1:
0x0: {  	(tag) =	ssettag $0x1  }
0x1: {  	s2 =	rddreg [dreg:$0x0]  }
0x2: {  	s3 =	rddreg [dreg:$0x1]  }
0x3: {  	s0 =	rddreg [dreg:$0x2];
	_ =	strace $0x8000004A;
	s4 =	simm.s32 $0x1  }
0x4: {  	s1 =	stileid.u32;
	s7 =	simm.s32 $0x1;
	s8 =	simm.s32 $0x1  }
0x5: {  	s6 =	simm.s32 $0x2;
	s9 =	simm.s32 $0x3;
	s10 =	simm.s32 $0x0  }
.Ltmp0:
0x6: {  	s13 =	simm.s32 $0x0;
	p0 =	slt.u32 s1, $0xA;
	(pc) =	sbr.rel .LBB2_1-.Ltmp0, $4  }
0x7: {  	[sflag:s4] =	ssyncpa.u1 $0x0;
	s7 =	simm.s32 @!p0 $0x0;
	p0 =	sne.s32 s1, $0x9  }
0x8: {  	s5 =	smul.u32 $0xF0, s1;
	[sflag:s6] =	ssyncpa.u1 $0x0;
	s8 =	simm.s32 @!p0 $0x0  }
0x9: {  	s12 =	simm.s32 $0x0;
	[sflag:s9] =	ssyncpa.u1 $0x0;
	s7 =	sadd.s32 s8, s7  }
0xa: {  	vm0 =	vmmov $0xffff;
	s11 =	smov.u32 s5;
	s8 =	sadd.s32 $0x306000, s2;
	s9 =	sadd.s32 $0x1, s7  }
.LBB2_4:
0xb: {  	v2 =	vnsel vm1, $0x0, v2  }
0xc: {  	vm1 =	vgt.s32 v0, $0x0;
	v2 =	vmin.u32 v2, $0x2FFFF  }
0xd: {  	v0 =	vnsel vm1, $0x0, v0  }
0xe: {  	v0 =	vmin.u32 v0, $0x2FFFF  }
0xf: {  	[tilespmem:s18], [sflag:$0x1] =	stream.indirect_vreg.gather [hbm4b:s2+s10], $0x1, v1, vm0, $0x4038;
	[tilespmem:$0x3C0] =	vst v63  }
0x10: {  	(ifvalue) =	ssetifvalue $0x7FFFFFFF  }
0x11: {  	[tilespmem:s15], [sflag:$0x1] =	stream.indirect_vreg.gather [hbm4b:s2+s10], $0x1, v2, vm0, $0x4038;
	[tilespmem:$0x3C0] =	vst v63  }
0x12: {  	s29 =	sadd.s32 $0x10, s15;
	(ifvalue) =	ssetifvalue $0x7FFFFFFF  }
0x13: {  	[tilespmem:s29], [sflag:$0x1] =	stream.indirect_vreg.gather [hbm4b:s2+s10], $0x1, v0, vm0, $0x4038;
	[tilespmem:$0x3C0] =	vst v63  }
0x14: {  	_ =	swait.ge [sflag:s4], $0xF0  }
0x15: {  	s30 =	sshrl.u32 s13, $0x3;
	[sflag:s4] =	ssyncset.done $0x0  }
0x16: {  	s31 =	sand.u32 $0x7, s13;
	s15 =	sadd.s32 s3, s30;
	[sflag:s4] =	ssyncadd.s32 $0xFFFFFF10  }
0x17: {  	[hbm4b:s15+s31] =	stream.linear.scatter [tilespmem:s14], [sflag:$0x3], $0xF0, $0x38;
	[tilespmem:$0x3C0] =	vst v63  }
.LBB2_5:
0x18: {  	s15 =	sadd.s32 $0xF00, s11  }
0x19: {  	p1 =	sgt.s32 s15, $0x176F  }
0x1a: {  	s15 =	smov.u32 @p1 s5;
	p1 =	sne.s32 s12, s9  }
.Ltmp1:
0x1b: {  	p0 =	slt.u32 s12, $0x2;
	(pc) =	sbr.rel @!p1 .LBB2_6-.Ltmp1, $4  }
0x1c: {  	s14 =	simm.s32 @!p0 $0x3  }
0x1d: {  	_ =	swait.ge @!p0 [sflag:s14], $0xF0  }
0x1e: {  	s16 =	sadd.s32 $0x1, s12;
	s13 =	smov.u32 s11;
	[sflag:s14] =	ssyncset.done @!p0 $0x0  }
0x1f: {  	s12 =	smov.u32 s16;
	s11 =	smov.u32 s15;
	[sflag:s14] =	ssyncadd.s32 @!p0 $0xFFFFFF10  }
.LBB2_1:
0x20: {  	p0 =	sge.u32 s12, s7  }
0x21: {  	s14 =	sxor.u32 @!p0 $0x1, s12  }
0x22: {  	s14 =	smul.u32 @!p0 $0x3C0, s14  }
0x23: {  	s31 =	sadd.s32 $0xFFFFFFFF, s12;
	s15 =	sshrl.u32 @!p0 s11, $0x3  }
0x24: {  	s16 =	sand.u32 @!p0 $0x7, s11;
	s15 =	sadd.s32 @!p0 s8, s15;
	s14 =	sshra.s32 @!p0 s14, $0x2  }
0x25: {  	[tilespmem:s14], [sflag:$0x2] =	stream.linear.gather @!p0 [hbm4b:s15+s16], $0xF0, $0x38;
	[tilespmem:$0x3C0] =	vst v63  }
0x26: {  	p0 =	sge.u32 s31, s7  }
.Ltmp2:
0x27: {  	_ = 	snop;
	(pc) =	sbr.rel @p0 .LBB2_5-.Ltmp2, $1  }
0x28: {  	_ =	sdelay $0x3  }
0x29: {  	s14 =	sand.u32 $0x1, s12  }
0x2a: {  	_ =	swait.ge [sflag:s6], $0xF0;
	p0 =	seq.s32 s14, $0x1;
	s14 =	simm.s32 $0xF0  }
0x2b: {  	[sflag:s6] =	ssyncset.done $0x0;
	s14 =	simm.s32 @!p0 $0x0  }
0x2c: {  	[sflag:s6] =	ssyncadd.s32 $0xFFFFFF10;
	(ifvalue) =	ssetifvalue $0x7FFFFFFF;
	v0 =	vld.msk [tilespmem:s14+$0x0 ss:$0x1], $0xffff;
	_ =	sdelay $0x4  }
0x2d: {  	s15 =	sadd.s32 $0x10, s14;
	vm1 =	vgt.s32 v0, $0x0  }
0x2e: {  	v2 =	vld.msk [tilespmem:s15+$0x0 ss:$0x1], $0xffff;
	v1 =	vnsel vm1, $0x0, v0  }
0x2f: {  	v1 =	vmin.u32 v1, $0x2FFFF;
	_ =	sdelay $0x2  }
0x30: {  	s17 =	simm.s32 $0x20;
	s14 =	sadd.s32 $0x1E0, s14;
	s16 =	sadd.s32 $0x10, s15  }
0x31: {  	s15 =	sadd.s32 $0x10, s14;
	s18 =	smov.u32 s14;
	v0 =	vld.msk [tilespmem:s16+$0x0 ss:$0x1], $0xffff;
	vm1 =	vgt.s32 v2, $0x0;
	(ifvalue) =	ssetifvalue $0x7FFFFFFF  }
.LBB2_3:
0x32: {  	[tilespmem:s18], [sflag:$0x1] =	stream.indirect_vreg.gather [hbm4b:s2+s10], $0x1, v1, vm0, $0x4038;
	[tilespmem:$0x3C0] =	vst v63  }
0x33: {  	s17 =	sadd.s32 $0x10, s17  }
0x34: {  	v2 =	vnsel vm1, $0x0, v2;
	p0 =	slt.u32 s17, $0xE0  }
.Ltmp3:
0x35: {  	s18 =	smov.u32 s15;
	v1 =	vmin.u32 v2, $0x2FFFF;
	(pc) =	sbr.rel @p0 .LBB2_3-.Ltmp3, $3  }
0x36: {  	_ =	sdelay $0x1  }
0x37: {  	s16 =	sadd.s32 $0x10, s16  }
0x38: {  	vm1 =	vgt.s32 v0, $0x0;
	s15 =	sadd.s32 $0x10, s15;
	v2 =	vmov v0;
	(ifvalue) =	ssetifvalue $0x7FFFFFFF;
	v0 =	vld.msk [tilespmem:s16+$0x0 ss:$0x1], $0xffff  }
.Ltmp4:
0x39: {  	_ = 	snop;
	(pc) =	sbr.rel .LBB2_4-.Ltmp4, $1  }
0x3a: {  	_ =	sdelay $0x3  }
.LBB2_6:
0x3b: {  	_ =	sfence.sel $0x180000  }
0x3c: {  	s2 =	simm.s32 $0x2;
	[bflag:$0x0] =	sbarrier.arrive $0xFFFF  }
0x3d: {  	s30 =	simm.s32 $0x3;
	[sflag:s2] =	ssyncpa.u1 $0x1  }
0x3e: {  	s31 =	simm.s32 $0x1;
	[sflag:s30] =	ssyncpa.u1 $0x1  }
0x3f: {  	[sflag:s31] =	ssyncpa.u1 $0x1  }
0x40: {  	p0 =	sne.s32 s1, $0x0;
	_ =	strace $0x9000004A  }
0x41: {  	s0 =	sadd.s32 @!p0 $0x100000, s0;
	[bflag:$0x2] =	sbarrier.arrive $0xFFFF  }
0x42: {  	[sflag:s0] =	ssyncadd.tile.s32 @!p0 $0x1;
	_ =	shalt  }
.Lfunc_end2:
_tile_overlayer_lowered:
.L_overlay_start_2:
0x43: {  	(tag) =	ssettag $0x2  }
0x44: {  	s0 =	rddreg [dreg:$0x0];
	s2 =	stileid.u32  }
0x45: {  	s1 =	rddreg [dreg:$0x1];
	p0 =	sne.s32 s2, $0x0  }
0x46: {  	s3 =	rddreg [dreg:$0x2];
	[bflag:$0x3] =	sbarrier.arrive $0xFFFF;
	s2 =	simm.s32 @!p0 $0x1C01  }
0x47: {  	[timem:s3], [sflag:s2] =	dma.local @!p0 [hbm:s0], s1  }
0x48: {  	s0 =	simm.s32 @!p0 $0x1  }
0x49: {  	_ =	swait.ge @!p0 [sflag:s0], s1  }
0x4a: {  	s1 =	ssub.s32 @!p0 $0x0, s1;
	[sflag:s0] =	ssyncset.done @!p0 $0x0  }
0x4b: {  	[sflag:s0] =	ssyncadd.s32 @!p0 s1  }
0x4c: {  	[bflag:$0x3] =	sbarrier.arrive $0xFFFF  }
0x4d: {  	_ =	shalt  }

// kernel: gather_offload_async_start
scs
__scs_entry_jumppad:
0x0: {  	(pc) =	sbr.rel $0x88, $3  }
0x1: {  	(tag) =	ssettag $0x0;
	lr =	simm.s32 $0x1  }
0x2: {  	[smem:$0x3F96] =	sst lr;
	_ =	strace $0xD0000000  }
0x3: {  	_ = 	snop  }
0x4: {  	_ = 	snop  }
0x5: {  	_ = 	snop  }
0x6: {  	_ = 	snop  }
0x7: {  	_ = 	snop  }
__scs_overlays_trampoline_lowered:
0x8: {  	[smem:$0x3FA5] =	sst s0  }
0x9: {  	[smem:$0x3FA6] =	sst s1  }
0xa: {  	[smem:$0x3FA7] =	sst s2  }
0xb: {  	[smem:$0x3FA8] =	sst s3  }
0xc: {  	[smem:$0x3FA9] =	sst s4  }
0xd: {  	[smem:$0x3FAA] =	sst s5  }
0xe: {  	[smem:$0x3FAB] =	sst s6  }
0xf: {  	[smem:$0x3FAC] =	sst s7  }
0x10: {  	[smem:$0x3FAD] =	sst s8  }
0x11: {  	[smem:$0x3FAE] =	sst s9;
	s0 =	simm.s32 @!p0 $0x0  }
0x12: {  	s1 =	sld [smem:$0x3F94];
	s0 =	simm.s32 @p0 $0x1  }
0x13: {  	[smem:$0x3FAF] =	sst s0;
	s0 =	simm.s32 @!p1 $0x0  }
0x14: {  	s2 =	sld [smem:$0x3F93];
	s0 =	simm.s32 @p1 $0x1  }
0x15: {  	[smem:$0x3FB0] =	sst s0;
	s0 =	simm.s32 @!p2 $0x0  }
0x16: {  	s3 =	sld [smem:$0x3FDB];
	s0 =	simm.s32 @p2 $0x1  }
0x17: {  	s4 =	simm.s32 $0x1BF5;
	[smem:$0x3FB2] =	sst s0  }
0x18: {  	s0 =	sld [smem:$0x3F95];
	_ =	swait.ge [sflag:s4], $0x0  }
0x19: {  	s7 =	sld [smem:$0x3F96]  }
0x1a: {  	s8 =	sadd.s32 $0xFFFFE003, lr  }
0x1b: {  	s9 =	sadd.s32 $0xFFFFFEF7, lr;
	s5 =	simm.s32 $0xFFFFFFFF;
	p2 =	slt.u32 s8, $0xFFFFF086  }
0x1c: {  	p1 =	slt.u32 s9, $0xF7A;
	s5 =	simm.s32 @!p2 $0x0  }
0x1d: {  	s5 =	simm.s32 @p1 $0x1;
	p0 =	seq.s32 s7, s2  }
0x1e: {  	s7 =	smul.u32 @!p0 $0xF7A, s2;
	p2 =	seq.s32 @!p0 s5, $0x0  }
0x1f: {  	s9 =	smul.u32 $0xF7A, s1;
	s8 =	simm.s32 @!p0 $0x1BF5;
	p2 =	por !p2, p0  }
0x20: {  	[sflag:s8] =	ssyncset.s32 @!p0 $0xFFFFF086;
	s6 =	sadd.s32 @!p0 s3, s7;
	s7 =	simm.s32 @!p0 $0x108  }
0x21: {  	s3 =	sadd.s32 s3, s9;
	s6 =	sadd.s32 @!p0 $0x88, s6;
	s7 =	simm.s32 @p2 $0x1082  }
0x22: {  	[simem:s7], [sflag:s8] =	dma.local @!p0 [hbm:s6], $0xF7A  }
0x23: {  	s9 =	sor.u32 $0xD0000000, s2;
	s6 =	simm.s32 $0x108;
	_ =	swait.ge @!p0 [sflag:s8], $0x0  }
0x24: {  	s3 =	sadd.s32 $0x88, s3;
	s6 =	simm.s32 @!p1 $0x1082;
	[sflag:s4] =	ssyncset.s32 $0xFFFFF086  }
0x25: {  	[simem:s6], [sflag:s4] =	dma.local [hbm:s3], $0xF7A  }
0x26: {  	[smem:$0x3F96] =	sst s1;
	(tag) =	ssettag s2;
	_ =	strace s9  }
0x27: {  	s1 =	sld [smem:$0x3FA6]  }
0x28: {  	s2 =	sld [smem:$0x3FA7]  }
0x29: {  	s4 =	sld [smem:$0x3FA9]  }
0x2a: {  	p0 =	seq.s32 s5, $0x0;
	s5 =	sld [smem:$0x3FAA]  }
0x2b: {  	s6 =	sld [smem:$0x3FAB]  }
0x2c: {  	s7 =	sld [smem:$0x3FAC]  }
0x2d: {  	s3 =	simm.s32 $0x108;
	s8 =	sld [smem:$0x3FAD]  }
0x2e: {  	s3 =	simm.s32 @!p0 $0x1082;
	s9 =	sld [smem:$0x3FAE]  }
0x2f: {  	lr =	sadd.s32 s0, s3;
	s0 =	sld [smem:$0x3FA5]  }
0x30: {  	s3 =	sld [smem:$0x3FA8]  }
0x31: {  	[smem:$0x3FB1] =	sst s10  }
0x32: {  	s10 =	sld [smem:$0x3FAF];
	_ =	sdelay $0x3  }
0x33: {  	p0 =	seq.s32 s10, $0x1;
	s10 =	sld [smem:$0x3FB1];
	_ =	sdelay $0x3  }
0x34: {  	[smem:$0x3FB1] =	sst s10  }
0x35: {  	s10 =	sld [smem:$0x3FB0];
	_ =	sdelay $0x3  }
0x36: {  	p1 =	seq.s32 s10, $0x1;
	s10 =	sld [smem:$0x3FB1];
	_ =	sdelay $0x3  }
0x37: {  	[smem:$0x3FB1] =	sst s10  }
0x38: {  	s10 =	sld [smem:$0x3FB2]  }
0x39: {  	_ = 	snop;
	(pc) =	sbr.ind lr, $3  }
0x3a: {  	_ = 	snop  }
0x3b: {  	_ = 	snop  }
0x3c: {  	p2 =	seq.s32 s10, $0x1;
	s10 =	sld [smem:$0x3FB1]  }
0x3d: {  	_ =	shalt  }
0x3e: {  	_ =	shalt  }
0x3f: {  	_ =	shalt  }
0x40: {  	_ =	shalt  }
0x41: {  	_ =	shalt  }
0x42: {  	_ =	shalt  }
0x43: {  	_ =	shalt  }
0x44: {  	_ =	shalt  }
0x45: {  	_ =	shalt  }
0x46: {  	_ =	shalt  }
0x47: {  	_ =	shalt  }
0x48: {  	_ =	shalt  }
0x49: {  	_ =	shalt  }
0x4a: {  	_ =	shalt  }
0x4b: {  	_ =	shalt  }
0x4c: {  	_ =	shalt  }
0x4d: {  	_ =	shalt  }
0x4e: {  	_ =	shalt  }
0x4f: {  	_ =	shalt  }
0x50: {  	_ =	shalt  }
0x51: {  	_ =	shalt  }
0x52: {  	_ =	shalt  }
0x53: {  	_ =	shalt  }
0x54: {  	_ =	shalt  }
0x55: {  	_ =	shalt  }
0x56: {  	_ =	shalt  }
0x57: {  	_ =	shalt  }
0x58: {  	_ =	shalt  }
0x59: {  	_ =	shalt  }
0x5a: {  	_ =	shalt  }
0x5b: {  	_ =	shalt  }
0x5c: {  	_ =	shalt  }
0x5d: {  	_ =	shalt  }
0x5e: {  	_ =	shalt  }
0x5f: {  	_ =	shalt  }
0x60: {  	_ =	shalt  }
0x61: {  	_ =	shalt  }
0x62: {  	_ =	shalt  }
0x63: {  	_ =	shalt  }
0x64: {  	_ =	shalt  }
0x65: {  	_ =	shalt  }
0x66: {  	_ =	shalt  }
0x67: {  	_ =	shalt  }
0x68: {  	_ =	shalt  }
0x69: {  	_ =	shalt  }
0x6a: {  	_ =	shalt  }
0x6b: {  	_ =	shalt  }
0x6c: {  	_ =	shalt  }
0x6d: {  	_ =	shalt  }
0x6e: {  	_ =	shalt  }
0x6f: {  	_ =	shalt  }
0x70: {  	_ =	shalt  }
0x71: {  	_ =	shalt  }
0x72: {  	_ =	shalt  }
0x73: {  	_ =	shalt  }
0x74: {  	_ =	shalt  }
0x75: {  	_ =	shalt  }
0x76: {  	_ =	shalt  }
0x77: {  	_ =	shalt  }
0x78: {  	_ =	shalt  }
0x79: {  	_ =	shalt  }
0x7a: {  	_ =	shalt  }
0x7b: {  	_ =	shalt  }
0x7c: {  	_ =	shalt  }
0x7d: {  	_ =	shalt  }
0x7e: {  	_ =	shalt  }
0x7f: {  	_ =	shalt  }
0x80: {  	_ =	shalt  }
0x81: {  	_ =	shalt  }
0x82: {  	_ =	shalt  }
0x83: {  	_ =	shalt  }
0x84: {  	_ =	shalt  }
0x85: {  	_ =	shalt  }
0x86: {  	_ =	shalt  }
0x87: {  	_ =	shalt  }
.Lfunc_end0:
.L_simem_size_0:
called_computation_lowered:
.L_overlay_start_0:
0x88: {  	s0 =	sld [smem:$0x3FD9]  }
0x89: {  	s1 =	sld [smem:$0x3FFE];
	_ =	sdelay $0x3  }
0x8a: {  	s0 =	sadd.s32 s1, s0  }
0x8b: {  	[smem:$0x3FBD] =	sst s0  }
0x8c: {  	_ = 	snop  }
0x8d: {  	s0 =	sld [smem:$0x3FD0];
	_ =	sdelay $0x2  }
0x8e: {  	s13 =	simm.s32 $0xA;
	s2 =	simm.s32 $0x10  }
0x8f: {  	[smem:s2], [sflag:s13] =	dma.local [hbm:s0], $0x1  }
0x90: {  	_ =	swait.eq [sflag:s13], $0x1  }
0x91: {  	[sflag:s13] =	ssyncset.done $0x0  }
0x92: {  	[sflag:s13] =	ssyncadd.s32 $0xFFFFFFFF  }
0x93: {  	s14 =	sld [smem:$0x15];
	(tm) =	ssettm $0x1  }
0x94: {  	s15 =	sld [smem:$0x3FFB];
	_ =	sdelay $0x3  }
0x95: {  	_ =	strace s15  }
0x96: {  	s1 =	sld [smem:$0x3FFC];
	_ =	sdelay $0x3  }
0x97: {  	_ =	strace s1  }
0x98: {  	s1 =	sld [smem:$0x3FFD];
	_ =	sdelay $0x3  }
0x99: {  	_ =	strace s1  }
0x9a: {  	_ =	strace $0x8FFFFFFF  }
0x9b: {  	s16 =	sld [smem:$0x3FDB];
	_ =	sdelay $0x1  }
0x9c: {  	s17 =	simm.s32 $_scs_section_size  }
0x9d: {  	s3 =	simm.s32 $_size__tile_overlayer_lowered;
	s4 =	simm.s32 $_tile_overlayer_lowered  }
0x9e: {  	s20 =	simm.s32 $0x1BFF;
	s19 =	sshll.u32 s4, $0x1;
	s1 =	sadd.s32 s17, s16  }
0x9f: {  	s5 =	simm.s32 $0x0;
	s18 =	sshll.u32 s3, $0x1;
	s3 =	sadd.s32 s19, s1  }
0xa0: {  	[timem:s5], [sflag:s20] =	dma.local [hbm:s3], s18  }
0xa1: {  	_ =	swait.ge [sflag:s20], s18  }
0xa2: {  	s2 =	ssub.s32 $0x0, s18;
	[sflag:s20] =	ssyncset.done $0x0  }
0xa3: {  	[sflag:s20] =	ssyncadd.s32 s2;
	_ =	sdelay $0x1  }
0xa4: {  	s21 =	simm.s32 $0x1B8B  }
0xa5: {  	_ =	swait.ge [sflag:s21], $0x1  }
0xa6: {  	[sflag:s21] =	ssyncset.done $0x0  }
0xa7: {  	s23 =	simm.s32 $0x1B8E;
	s22 =	sld [smem:$0x3FFE];
	[sflag:s21] =	ssyncadd.s32 $0xFFFFFFFF  }
0xa8: {  	s24 =	simm.s32 $execute0_lowered;
	[smem:$0x3FD2] =	sst s23  }
0xa9: {  	s3 =	sshll.u32 s24, $0x1;
	_ =	strace $0x80000046;
	[dreg:$0x1] =	wrdreg $0xFFFFFFFF  }
0xaa: {  	s25 =	simm.s32 $_size_execute0_lowered;
	s1 =	sadd.s32 s1, s3;
	[dreg:$0x0] =	wrdreg $0x0  }
0xab: {  	s3 =	sshll.u32 s25, $0x1;
	[dreg:$0x2] =	wrdreg s1  }
0xac: {  	[dreg:$0x3] =	wrdreg s3  }
0xad: {  	[dreg:$0x4] =	wrdreg $0xC0  }
0xae: {  	_ =	task [dreg:s5], $0x5FFFF  }
0xaf: {  	[dreg:$0x1] =	wrdreg $0xFFFFFFFF  }
0xb0: {  	[dreg:$0x0] =	wrdreg $0x60  }
0xb1: {  	[dreg:$0x2] =	wrdreg s22  }
0xb2: {  	[dreg:$0x3] =	wrdreg s14  }
0xb3: {  	[dreg:$0x4] =	wrdreg $0x9  }
0xb4: {  	_ =	task.clear_ibuf [dreg:s5], $0x5FFFF;
	_ =	strace $0x90000046  }
0xb5: {  	s26 =	simm.s32 $0x9;
	_ =	strace $0x80000048  }
0xb6: {  	_ =	swait.ge [sflag:s26], $0x1  }
0xb7: {  	[sflag:s26] =	ssyncadd.s32 $0xFFFFFFFF  }
0xb8: {  	_ =	strace $0x90000048  }
0xb9: {  	_ =	sfence  }
0xba: {  	s28 =	sld [smem:$0x0];
	_ =	sdelay $0x1  }
0xbb: {  	s29 =	srdreg.scid  }
0xbc: {  	s30 =	sshll.u32 s29, $0xD;
	s31 =	sshrl.u32 s29, $0x2  }
0xbd: {  	s2 =	sand.u32 $0x4000, s30;
	s1 =	sand.u32 $0x1, s29;
	s0 =	sadd.s32 s31, s28  }
0xbe: {  	s1 =	sor.u32 s2, s1;
	s0 =	sshll.u32 s0, $0x11  }
0xbf: {  	s0 =	sor.u32 s0, s1  }
0xc0: {  	s0 =	sadd.s32 $0x8F2B, s0  }
0xc1: {  	[sflag:s0] =	ssyncadd.remote.s32 $0x1  }
0xc2: {  	_ =	sfence.sel $0xFFFF  }
0xc3: {  	[dreg:$0x0] =	wrdreg $0xFFFFFFFF;
	(pc) =	sbr.abs _section_cstart, $3  }
0xc4: {  	[dreg:$0x1] =	wrdreg $0xFFFFFFFF  }
0xc5: {  	_ =	task.clear_ibuf [dreg:s5], $0x2FFFF;
	_ =	strace $0x9FFFFFFF  }
0xc6: {  	(tm) =	ssettm $0x7FFFFFFF  }
0xc7: {  	_ =	shalt  }
tec
execute0_lowered:
.L_overlay_start_1:
0x0: {  	(tag) =	ssettag $0x1  }
0x1: {  	s0 =	stileid.u32  }
0x2: {  	s1 =	smin.u32 s0, $0xE  }
0x3: {  	s1 =	sadd.s32 s0, s1  }
0x4: {  	s2 =	simm.s32 $0x190;
	p0 =	slt.u32 s0, $0xE;
	s1 =	smul.u32 $0xC8, s1  }
0x5: {  	s2 =	simm.s32 @!p0 $0xC8  }
0x6: {  	s2 =	sadd.s32 s2, s1  }
0x7: {  	s3 =	smin.u32 s2, $0x1770  }
0x8: {  	s7 =	ssub.s32 s3, s1  }
0x9: {  	p0 =	sgt.s32 s7, $0x0  }
0xa: {  	s7 =	simm.s32 @!p0 $0x0  }
0xb: {  	s31 =	sand.u32 $0xFFF8, s7  }
0xc: {  	s2 =	sshrl.u32 s31, $0x3  }
0xd: {  	s9 =	rddreg [dreg:$0x0];
	s2 =	smul.u32 $0x147B, s2  }
0xe: {  	s4 =	rddreg [dreg:$0x1];
	s6 =	simm.s32 $0x1  }
0xf: {  	s11 =	simm.s32 $0x3;
	s13 =	simm.s32 $0x0;
	s8 =	sshrl.u32 s2, $0x11  }
0x10: {  	s12 =	simm.s32 $0x0;
	s5 =	sadd.s32 $0x6000, s9;
	s10 =	smul.u32 $0xC8, s8  }
.Ltmp0:
0x11: {  	s9 =	sadd.s32 $0x306000, s9;
	s2 =	rddreg [dreg:$0x2];
	(pc) =	sbr.rel .LBB2_1-.Ltmp0, $4  }
0x12: {  	_ =	strace $0x80000047;
	p0 =	sne.s32 s7, s10;
	s10 =	simm.s32 $0x1  }
0x13: {  	[sflag:s6] =	ssyncpa.u1 $0x0;
	s7 =	simm.s32 $0x2;
	s10 =	simm.s32 @!p0 $0x0  }
0x14: {  	[sflag:s7] =	ssyncpa.u1 $0x0;
	p0 =	por $0x0, $0x0;
	s8 =	sadd.s32 s8, s10  }
0x15: {  	vm0 =	vmmov $0xff;
	vm1 =	vcmask $0x3F20;
	[sflag:s11] =	ssyncpa.u1 $0x0;
	s11 =	smov.u32 s1;
	s10 =	sadd.s32 $0x1, s8  }
.LBB2_6:
0x16: {  	[hbm:s17] =	stream.linear.scatter [tilespmem:s14], [sflag:$0x3], $0x400, $0x38;
	[tilespmem:$0xC990] =	vst v63  }
.LBB2_7:
0x17: {  	s13 =	sadd.s32 $0xC8, s11  }
0x18: {  	s15 =	smov.u32 s1;
	p2 =	slt.s32 s13, s3  }
0x19: {  	s15 =	smov.u32 @p2 s13;
	p2 =	sne.s32 s12, s10  }
.Ltmp1:
0x1a: {  	p1 =	slt.u32 s12, $0x2;
	(pc) =	sbr.rel @!p2 .LBB2_8-.Ltmp1, $4  }
0x1b: {  	s14 =	simm.s32 @!p1 $0x3  }
0x1c: {  	s16 =	sadd.s32 $0x1, s12;
	_ =	swait.ge @!p1 [sflag:s14], $0x6400  }
0x1d: {  	p0 =	por !p0, !p0;
	s13 =	smov.u32 s11;
	[sflag:s14] =	ssyncset.done @!p1 $0x0  }
0x1e: {  	s12 =	smov.u32 s16;
	s11 =	smov.u32 s15;
	[sflag:s14] =	ssyncadd.s32 @!p1 $0xFFFF9C00  }
.LBB2_1:
0x1f: {  	p1 =	sge.u32 s12, s8  }
0x20: {  	s14 =	sxor.u32 @!p1 $0xFFFFFFFF, s12  }
0x21: {  	s14 =	sand.u32 @!p1 $0x1, s14  }
0x22: {  	s14 =	smul.u32 @!p1 $0x320, s14  }
0x23: {  	s31 =	sadd.s32 $0xFFFFFFFF, s12;
	s15 =	sshrl.u32 @!p1 s11, $0x3  }
0x24: {  	s16 =	sand.u32 @!p1 $0x7, s11;
	s15 =	sadd.s32 @!p1 s9, s15;
	s14 =	sshrl.u32 @!p1 s14, $0x2  }
0x25: {  	[tilespmem:s14], [sflag:$0x2] =	stream.linear.gather @!p1 [hbm4b:s15+s16], $0xC8, $0x38;
	[tilespmem:$0xC990] =	vst v63  }
0x26: {  	p1 =	sge.u32 s31, s8  }
.Ltmp2:
0x27: {  	_ = 	snop;
	(pc) =	sbr.rel @p1 .LBB2_7-.Ltmp2, $1  }
0x28: {  	_ =	sdelay $0x3  }
0x29: {  	s14 =	simm.s32 $0x1  }
0x2a: {  	s14 =	simm.s32 @!p0 $0x0  }
0x2b: {  	s15 =	smul.u32 $0x320, s14  }
0x2c: {  	_ =	swait.ge [sflag:s7], $0xC8  }
0x2d: {  	[sflag:s7] =	ssyncset.done $0x0;
	s16 =	sshrl.u32 s15, $0x2  }
0x2e: {  	[sflag:s7] =	ssyncadd.s32 $0xFFFFFF38;
	s15 =	sadd.s32 $0x0, s16  }
0x2f: {  	v0 =	vld.msk [tilespmem:s15+$0x0 ss:$0x1], $0xffff;
	_ =	sdelay $0x4  }
0x30: {  	vm2 =	vgt.s32 v0, $0x0  }
0x31: {  	v0 =	vnsel vm2, $0x0, v0  }
0x32: {  	v0 =	vmin.u32 v0, $0x2FFFF  }
0x33: {  	v0 =	vshll.u32 v0, $0x4  }
0x34: {  	s14 =	smul.u32 $0x19000, s14  }
0x35: {  	s31 =	sand.u32 $0x1, s12  }
0x36: {  	s17 =	smul.u32 $0x320, s31;
	s14 =	sshrl.u32 s14, $0x2  }
0x37: {  	s19 =	smul.u32 $0x19000, s31;
	s14 =	sor.u32 $0x190, s14  }
0x38: {  	[tilespmem:s14], [sflag:$0x1] =	stream.indirect_vreg.gather [hbm:s5], $0x80, v0, vm0, $0x38;
	[tilespmem:$0xC990] =	vst v63  }
0x39: {  	s18 =	sshrl.u32 s17, $0x2;
	s20 =	sadd.s32 $0x10, s16;
	s15 =	sadd.s32 $0x400, s14  }
0x3a: {  	[tilespmem:s15], [sflag:$0x1] =	stream.indirect_vreg.gather [hbm:s5], $0x80, v0, vm1, $0x38;
	[tilespmem:$0xC990] =	vst v63  }
0x3b: {  	s17 =	sshrl.u32 s19, $0x2;
	s19 =	smov.u32 s14;
	v0 =	vld.msk [tilespmem:s20+$0x0 ss:$0x1], $0xffff;
	s20 =	simm.s32 $0x80  }
.LBB2_3:
0x3c: {  	p1 =	sne.s32 s20, $0x2C0;
	_ =	sdelay $0x4  }
0x3d: {  	vm2 =	vgt.s32 v0, $0x0  }
0x3e: {  	v0 =	vnsel vm2, $0x0, v0  }
0x3f: {  	v0 =	vmin.u32 v0, $0x2FFFF  }
0x40: {  	v0 =	vshll.u32 v0, $0x4;
	_ =	sdelay $0x3  }
.Ltmp3:
0x41: {  	s21 =	sshra.s32 s20, $0x2;
	s19 =	sadd.s32 $0x800, s19;
	(pc) =	sbr.rel @p1 .LBB2_3-.Ltmp3, $4  }
0x42: {  	[tilespmem:s19], [sflag:$0x1] =	stream.indirect_vreg.gather [hbm:s5], $0x80, v0, vm0, $0x38;
	[tilespmem:$0xC990] =	vst v63  }
0x43: {  	s21 =	sadd.s32 s21, s16;
	s22 =	sadd.s32 $0x400, s19  }
0x44: {  	[tilespmem:s22], [sflag:$0x1] =	stream.indirect_vreg.gather [hbm:s5], $0x80, v0, vm1, $0x38;
	[tilespmem:$0xC990] =	vst v63  }
0x45: {  	s20 =	sadd.s32 $0x40, s20;
	v0 =	vld.msk [tilespmem:s21+$0x0 ss:$0x1], $0xffff  }
0x46: {  	_ =	sdelay $0x3  }
0x47: {  	vm2 =	vgt.s32 v0, $0x0  }
0x48: {  	v0 =	vnsel vm2, $0x0, v0  }
0x49: {  	v0 =	vmin.u32 v0, $0x2FFFF  }
0x4a: {  	v0 =	vshll.u32 v0, $0x4;
	_ =	sdelay $0x3  }
0x4b: {  	s16 =	sadd.s32 $0x800, s19  }
0x4c: {  	[tilespmem:s16], [sflag:$0x1] =	stream.indirect_vreg.gather [hbm:s5], $0x80, v0, vm0, $0x38;
	[tilespmem:$0xC990] =	vst v63  }
0x4d: {  	s16 =	sadd.s32 $0x400, s16  }
0x4e: {  	[tilespmem:s16], [sflag:$0x1] =	stream.indirect_vreg.gather [hbm:s5], $0x80, v0, vm1, $0x38;
	[tilespmem:$0xC990] =	vst v63  }
0x4f: {  	v0 =	vld.msk [tilespmem:s18+$0xC0 ss:$0x1], $0xff;
	_ =	sdelay $0x4  }
0x50: {  	vm2 =	vgt.s32 v0, $0x0  }
0x51: {  	v0 =	vnsel vm2, $0x0, v0  }
0x52: {  	v0 =	vmin.u32 v0, $0x2FFFF  }
0x53: {  	v0 =	vshll.u32 v0, $0x4;
	_ =	sdelay $0x3  }
0x54: {  	s31 =	sadd.s32 $0x6190, s17  }
0x55: {  	[tilespmem:s31], [sflag:$0x1] =	stream.indirect_vreg.gather [hbm:s5], $0x80, v0, vm0, $0x38;
	[tilespmem:$0xC990] =	vst v63  }
0x56: {  	s13 =	sshll.u32 s13, $0x4;
	_ =	swait.ge [sflag:s6], $0x6400  }
0x57: {  	s13 =	sadd.s32 s13, s4;
	[sflag:s6] =	ssyncset.done $0x0  }
0x58: {  	s17 =	sadd.s32 $0x0, s13;
	s16 =	simm.s32 $0x80;
	[sflag:s6] =	ssyncadd.s32 $0xFFFF9C00  }
.LBB2_5:
0x59: {  	[hbm:s17] =	stream.linear.scatter [tilespmem:s14], [sflag:$0x3], $0x400, $0x38;
	[tilespmem:$0xC990] =	vst v63  }
0x5a: {  	s17 =	smov.u32 s16;
	s14 =	smov.u32 s15;
	p1 =	sne.s32 s16, $0xC00  }
.Ltmp4:
0x5b: {  	s16 =	sadd.s32 $0x80, s16;
	(pc) =	sbr.rel @p1 .LBB2_5-.Ltmp4, $2  }
0x5c: {  	_ =	sdelay $0x2  }
0x5d: {  	s15 =	sadd.s32 $0x400, s15;
	s17 =	sadd.s32 s17, s13  }
.Ltmp5:
0x5e: {  	_ = 	snop;
	(pc) =	sbr.rel .LBB2_6-.Ltmp5, $1  }
0x5f: {  	_ =	sdelay $0x3  }
.LBB2_8:
0x60: {  	_ =	sfence.sel $0x180000  }
0x61: {  	s1 =	simm.s32 $0x2;
	[bflag:$0x0] =	sbarrier.arrive $0xFFFF  }
0x62: {  	s30 =	simm.s32 $0x3;
	[sflag:s1] =	ssyncpa.u1 $0x1  }
0x63: {  	s31 =	simm.s32 $0x1;
	[sflag:s30] =	ssyncpa.u1 $0x1  }
0x64: {  	[sflag:s31] =	ssyncpa.u1 $0x1  }
0x65: {  	p0 =	sne.s32 s0, $0x0;
	_ =	strace $0x90000047  }
0x66: {  	s0 =	sadd.s32 @!p0 $0x100000, s2;
	[bflag:$0x2] =	sbarrier.arrive $0xFFFF  }
0x67: {  	[sflag:s0] =	ssyncadd.tile.s32 @!p0 $0x1;
	_ =	shalt  }
.Lfunc_end2:
_tile_overlayer_lowered:
.L_overlay_start_2:
0x68: {  	(tag) =	ssettag $0x2  }
0x69: {  	s0 =	rddreg [dreg:$0x0];
	s2 =	stileid.u32  }
0x6a: {  	s1 =	rddreg [dreg:$0x1];
	p0 =	sne.s32 s2, $0x0  }
0x6b: {  	s3 =	rddreg [dreg:$0x2];
	[bflag:$0x3] =	sbarrier.arrive $0xFFFF;
	s2 =	simm.s32 @!p0 $0x1C01  }
0x6c: {  	[timem:s3], [sflag:s2] =	dma.local @!p0 [hbm:s0], s1  }
0x6d: {  	s0 =	simm.s32 @!p0 $0x1  }
0x6e: {  	_ =	swait.ge @!p0 [sflag:s0], s1  }
0x6f: {  	s1 =	ssub.s32 @!p0 $0x0, s1;
	[sflag:s0] =	ssyncset.done @!p0 $0x0  }
0x70: {  	[sflag:s0] =	ssyncadd.s32 @!p0 s1  }
0x71: {  	[bflag:$0x3] =	sbarrier.arrive $0xFFFF  }
0x72: {  	_ =	shalt  }

</sc_bundles>
